<compile_context>
chip_gen: v7x
topology: tpu7x:2x2x1
jax: 0.10.2.dev20260603
libtpu: 0.0.44.dev20260713+nightly
codegen_flags: <defaults>
</compile_context>

<pallas_src>
import jax
import jax.numpy as jnp
from jax import lax
from jax.experimental import pallas as pl
from jax.experimental.pallas import tpu as pltpu
from jax.experimental.pallas import tpu_sc as plsc

B = 256
N = 100000
G = 5000
HALF_G = G // 2

NC = 2
NS = 16
NW = NC * NS
R = B // NW
NB = 2000
NUM_BLOCKS = N // NB
L = 16
H = NB // 2
UNROLL = 8


def _sc_kernel(x_hbm, seg_hbm, w_hbm, out_hbm,
               x_buf, seg_buf, w_buf, acc, sem):
    wid = lax.axis_index("s") * NC + lax.axis_index("c")
    row0 = wid * R

    lane = lax.iota(jnp.int32, L)
    lane_r = lane & (R - 1)
    hi = lane >= R
    hi_off = jnp.where(hi, H, 0).astype(jnp.int32)
    gbase = lane_r * NB + hi_off
    sbase = lane_r * G
    zeros = jnp.zeros((L,), jnp.float32)

    def issue(blk, par):
        off = blk * NB
        pltpu.async_copy(seg_hbm.at[pl.ds(off, NB)],
                         seg_buf.at[pl.ds(par * NB, NB)], sem)
        pltpu.async_copy(w_hbm.at[pl.ds(off, NB)],
                         w_buf.at[pl.ds(par * NB, NB)], sem)
        for r in range(R):
            pltpu.async_copy(
                x_hbm.at[pl.ds((row0 + r) * N + off, NB)],
                x_buf.at[pl.ds((par * R + r) * NB, NB)], sem)

    def drain():
        pltpu.make_async_copy(seg_hbm.at[pl.ds(0, NB)],
                              seg_buf.at[pl.ds(0, NB)], sem).wait()
        pltpu.make_async_copy(w_hbm.at[pl.ds(0, NB)],
                              w_buf.at[pl.ds(0, NB)], sem).wait()
        for r in range(R):
            pltpu.make_async_copy(x_hbm.at[pl.ds(0, NB)],
                                  x_buf.at[pl.ds(0, NB)], sem).wait()

    @plsc.parallel_loop(0, R * G // L, unroll=8)
    def zero_body(i):
        acc[pl.ds(i * L, L)] = zeros

    issue(0, 0)

    def block_body(blk, carry):
        par = blk & 1
        drain()

        @pl.when(blk + 1 < NUM_BLOCKS)
        def _():
            issue(blk + 1, 1 - par)

        xoff = par * (R * NB)
        soff = par * NB

        sv_last = seg_buf[pl.ds(soff + NB - L, L)]
        unweighted = sv_last[L - 1] < HALF_G

        @pl.when(unweighted)
        def _():
            @plsc.parallel_loop(0, H, unroll=UNROLL)
            def fast_body(j):
                xv = plsc.load_gather(x_buf, [gbase + (j + xoff)])
                sv = plsc.load_gather(seg_buf, [hi_off + (j + soff)])
                plsc.addupdate_scatter(acc, [sbase + sv], xv)

        @pl.when(jnp.logical_not(unweighted))
        def _():
            @plsc.parallel_loop(0, H, unroll=UNROLL)
            def pair_body(j):
                gs = hi_off + (j + soff)
                xv = plsc.load_gather(x_buf, [gbase + (j + xoff)])
                sv = plsc.load_gather(seg_buf, [gs])
                wv = plsc.load_gather(w_buf, [gs])
                wfv = jnp.where(sv >= HALF_G, wv, jnp.float32(1.0))
                plsc.addupdate_scatter(acc, [sbase + sv], xv * wfv)

        return carry

    lax.fori_loop(0, NUM_BLOCKS, block_body, 0)

    pltpu.sync_copy(acc, out_hbm.at[pl.ds(row0 * G, R * G)])


def kernel(x, segment_ids, W):
    mesh = plsc.VectorSubcoreMesh(core_axis_name="c", subcore_axis_name="s")
    f = pl.kernel(
        _sc_kernel,
        mesh=mesh,
        compiler_params=pltpu.CompilerParams(
            needs_layout_passes=False, use_tc_tiling_on_sc=False),
        out_type=jax.ShapeDtypeStruct((B * G,), jnp.float32),
        scratch_types=[
            pltpu.VMEM((2 * R * NB,), jnp.float32),
            pltpu.VMEM((2 * NB,), jnp.int32),
            pltpu.VMEM((2 * NB,), jnp.float32),
            pltpu.VMEM((R * G,), jnp.float32),
            pltpu.SemaphoreType.DMA,
        ],
    )
    return f(x.reshape(-1), segment_ids, W).reshape(B, G)

# --- scband reference (transcript-rebuilt; emitter-appended) ---
"""Pipeline reference for scband-aggregate-representation-60644938219532 (READ-ONLY COPY).

The authoritative reference and input builder live on the scoring server;
editing this copy changes nothing except your own understanding.
"""

import jax, jax.numpy as jnp
import numpy as np

N = 100000  # number of source codes
G = 5000    # number of target groups
B = 256     # batch of inpatient inputs

def setup_inputs(seed: int = 0) -> dict:
    key = jax.random.key(seed)
    k1, k2, k3 = jax.random.split(key, 3)
    x = jax.random.normal(k1, (B, N), dtype=jnp.float32)
    segment_ids = jnp.sort(jax.random.randint(k2, (N,), 0, G)).astype(jnp.int32)
    W = jax.random.normal(k3, (N,), dtype=jnp.float32) * 0.1
    return {"x": x, "segment_ids": segment_ids, "W": W}

def reference(x, segment_ids, W):
    # Each aggregator gathers a contiguous subset (sorted indices) of the
    # source representation and reduces it. Groups with id < G//2 use plain
    # Sum (weight fixed to 1.0); groups with id >= G//2 use WeightedSum with
    # a learned per-code weight (eqx.nn.Linear(subset, 1, use_bias=False)
    # flattened into the global weight vector W). hstack of all group outputs
    # is exactly a segment-sum over the sorted group partition.
    w_full = jnp.where(segment_ids >= (G // 2), W, jnp.float32(1.0))
    vals = x * w_full[None, :]
    def per_sample(v):
        return jax.ops.segment_sum(v, segment_ids, num_segments=G)
    return jax.vmap(per_sample)(vals)

if __name__ == "__main__":
    import jax
    _d = setup_inputs()
    print(jax.jit(kernel)(*tuple(_d.values())))

</pallas_src>

<mosaic_0001>
#map = affine_map<(d0, d1) -> (0)>
module attributes {stable_mosaic.version = 14 : i64} {
  func.func @_sc_kernel(%arg0: i32, %arg1: i32, %arg2: memref<25600000xf32, #tpu.memory_space<hbm>>, %arg3: memref<100000xi32, #tpu.memory_space<hbm>>, %arg4: memref<100000xf32, #tpu.memory_space<hbm>>, %arg5: memref<1280000xf32, #tpu.memory_space<hbm>>, %arg6: memref<32000xf32, #tpu.memory_space<vmem>>, %arg7: memref<4000xi32, #tpu.memory_space<vmem>>, %arg8: memref<4000xf32, #tpu.memory_space<vmem>>, %arg9: memref<40000xf32, #tpu.memory_space<vmem>>, %arg10: memref<!tpu.dma_semaphore, #tpu.memory_space<semaphore_mem>>) attributes {dimension_semantics = [#tpu.dimension_semantics<core_parallel>, #tpu.dimension_semantics<subcore_parallel>], iteration_bounds = array<i64: 2, 16>, scalar_prefetch = 0 : i64, scratch_operands = 5 : i64, tpu.core_type = #tpu.core_type<sc_vector_subcore>, window_params = [{transform_indices = #map}, {transform_indices = #map}, {transform_indices = #map}, {transform_indices = #map}]} {
    %mul3A = arith.constant 2 : i32
    %mul3A_0 = arith.muli %arg1, %mul3A : i32
    %add3A = arith.addi %mul3A_0, %arg0 : i32
    %mul3A_1 = arith.constant 8 : i32
    %mul3A_2 = arith.muli %add3A, %mul3A_1 : i32
    %iota3A = tpu.iota {dimensions = array<i32: 0>} : vector<16xi32>
    %and3A = arith.constant 7 : i32
    %and3A_3 = vector.broadcast %and3A : i32 to vector<16xi32>
    %and3A_4 = arith.andi %iota3A, %and3A_3 : vector<16xi32>
    %ge3A = arith.constant 8 : i32
    %ge3A_5 = vector.broadcast %ge3A : i32 to vector<16xi32>
    %ge3A_6 = arith.cmpi sge, %iota3A, %ge3A_5 : vector<16xi32>
    %jit3A = arith.constant 1000 : i32
    %jit3A_7 = arith.constant 0 : i32
    %broadcast_in_dim3A = vector.broadcast %jit3A : i32 to vector<16xi32>
    %broadcast_in_dim3A_8 = vector.broadcast %jit3A_7 : i32 to vector<16xi32>
    %select_n3A = arith.select %ge3A_6, %broadcast_in_dim3A, %broadcast_in_dim3A_8 : vector<16xi1>, vector<16xi32>
    %mul3A_9 = arith.constant 2000 : i32
    %mul3A_10 = vector.broadcast %mul3A_9 : i32 to vector<16xi32>
    %mul3A_11 = arith.muli %and3A_4, %mul3A_10 : vector<16xi32>
    %add3A_12 = arith.addi %mul3A_11, %select_n3A : vector<16xi32>
    %mul3A_13 = arith.constant 5000 : i32
    %mul3A_14 = vector.broadcast %mul3A_13 : i32 to vector<16xi32>
    %mul3A_15 = arith.muli %and3A_4, %mul3A_14 : vector<16xi32>
    %broadcast_in_dim3A_16 = arith.constant 0.000000e+00 : f32
    %broadcast_in_dim3A_17 = vector.broadcast %broadcast_in_dim3A_16 : f32 to vector<16xf32>
    %parallel_loop3A = arith.constant 0 : i32
    %parallel_loop3A_18 = arith.constant 2500 : i32
    %parallel_loop3A_19 = arith.constant 1 : i32
    scf.for %parallel_loop3A_138 = %parallel_loop3A to %parallel_loop3A_18 step %parallel_loop3A_19  : i32 {
      %parallel_loop3A_139 = arith.constant 16 : i32
      %parallel_loop3A_140 = arith.muli %parallel_loop3A_138, %parallel_loop3A_139 : i32
      %parallel_loop3A_141 = arith.index_cast %parallel_loop3A_140 : i32 to index
      %parallel_loop3A_142 = tpu.vector_load %arg9[%parallel_loop3A_141] {strides = array<i32>} : memref<40000xf32, #tpu.memory_space<vmem>>, vector<16xf32>,
      tpu.vector_store %arg9[%parallel_loop3A_141], %broadcast_in_dim3A_17 {strides = array<i32>} : memref<40000xf32, #tpu.memory_space<vmem>>, vector<16xf32>,
    } {sc.loop_unroll_factor = 8 : i64, sc.parallel_access}
    %dma_start3A = arith.constant 0 : i32
    %dma_start3A_20 = tpu.memref_slice %arg7[%dma_start3A] : memref<4000xi32, #tpu.memory_space<vmem>> -> memref<2000xi32, #tpu.memory_space<vmem>>
    %dma_start3A_21 = arith.constant 0 : i32
    %dma_start3A_22 = tpu.memref_slice %arg3[%dma_start3A_21] : memref<100000xi32, #tpu.memory_space<hbm>> -> memref<2000xi32, #tpu.memory_space<hbm>>
    %dma_start3A_23 = arith.constant 0 : i32
    %dma_start3A_24 = tpu.memref_slice %arg7[%dma_start3A_23] : memref<4000xi32, #tpu.memory_space<vmem>> -> memref<2000xi32, #tpu.memory_space<vmem>>
    %dma_start3A_25 = arith.constant 0 : i32
    %dma_start3A_26 = tpu.memref_slice %arg3[%dma_start3A_25] : memref<100000xi32, #tpu.memory_space<hbm>> -> memref<2000xi32, #tpu.memory_space<hbm>>
    tpu.enqueue_dma source(%dma_start3A_26 : memref<2000xi32, #tpu.memory_space<hbm>>) target(%dma_start3A_24 : memref<2000xi32, #tpu.memory_space<vmem>>) target_semaphore(%arg10 : memref<!tpu.dma_semaphore, #tpu.memory_space<semaphore_mem>>)
    %dma_start3A_27 = arith.constant 0 : i32
    %dma_start3A_28 = tpu.memref_slice %arg8[%dma_start3A_27] : memref<4000xf32, #tpu.memory_space<vmem>> -> memref<2000xf32, #tpu.memory_space<vmem>>
    %dma_start3A_29 = arith.constant 0 : i32
    %dma_start3A_30 = tpu.memref_slice %arg4[%dma_start3A_29] : memref<100000xf32, #tpu.memory_space<hbm>> -> memref<2000xf32, #tpu.memory_space<hbm>>
    %dma_start3A_31 = arith.constant 0 : i32
    %dma_start3A_32 = tpu.memref_slice %arg8[%dma_start3A_31] : memref<4000xf32, #tpu.memory_space<vmem>> -> memref<2000xf32, #tpu.memory_space<vmem>>
    %dma_start3A_33 = arith.constant 0 : i32
    %dma_start3A_34 = tpu.memref_slice %arg4[%dma_start3A_33] : memref<100000xf32, #tpu.memory_space<hbm>> -> memref<2000xf32, #tpu.memory_space<hbm>>
    tpu.enqueue_dma source(%dma_start3A_34 : memref<2000xf32, #tpu.memory_space<hbm>>) target(%dma_start3A_32 : memref<2000xf32, #tpu.memory_space<vmem>>) target_semaphore(%arg10 : memref<!tpu.dma_semaphore, #tpu.memory_space<semaphore_mem>>)
    %add3A_35 = arith.constant 0 : i32
    %add3A_36 = arith.addi %mul3A_2, %add3A_35 : i32
    %mul3A_37 = arith.constant 100000 : i32
    %mul3A_38 = arith.muli %add3A_36, %mul3A_37 : i32
    %add3A_39 = arith.constant 0 : i32
    %add3A_40 = arith.addi %mul3A_38, %add3A_39 : i32
    %dma_start3A_41 = arith.constant 0 : i32
    %dma_start3A_42 = tpu.memref_slice %arg6[%dma_start3A_41] : memref<32000xf32, #tpu.memory_space<vmem>> -> memref<2000xf32, #tpu.memory_space<vmem>>
    %dma_start3A_43 = tpu.memref_slice %arg2[%add3A_40] : memref<25600000xf32, #tpu.memory_space<hbm>> -> memref<2000xf32, #tpu.memory_space<hbm>>
    %dma_start3A_44 = arith.constant 0 : i32
    %dma_start3A_45 = tpu.memref_slice %arg6[%dma_start3A_44] : memref<32000xf32, #tpu.memory_space<vmem>> -> memref<2000xf32, #tpu.memory_space<vmem>>
    %dma_start3A_46 = tpu.memref_slice %arg2[%add3A_40] : memref<25600000xf32, #tpu.memory_space<hbm>> -> memref<2000xf32, #tpu.memory_space<hbm>>
    tpu.enqueue_dma source(%dma_start3A_46 : memref<2000xf32, #tpu.memory_space<hbm>>) target(%dma_start3A_45 : memref<2000xf32, #tpu.memory_space<vmem>>) target_semaphore(%arg10 : memref<!tpu.dma_semaphore, #tpu.memory_space<semaphore_mem>>)
    %add3A_47 = arith.constant 1 : i32
    %add3A_48 = arith.addi %mul3A_2, %add3A_47 : i32
    %mul3A_49 = arith.constant 100000 : i32
    %mul3A_50 = arith.muli %add3A_48, %mul3A_49 : i32
    %add3A_51 = arith.constant 0 : i32
    %add3A_52 = arith.addi %mul3A_50, %add3A_51 : i32
    %dma_start3A_53 = arith.constant 2000 : i32
    %dma_start3A_54 = tpu.memref_slice %arg6[%dma_start3A_53] : memref<32000xf32, #tpu.memory_space<vmem>> -> memref<2000xf32, #tpu.memory_space<vmem>>
    %dma_start3A_55 = tpu.memref_slice %arg2[%add3A_52] : memref<25600000xf32, #tpu.memory_space<hbm>> -> memref<2000xf32, #tpu.memory_space<hbm>>
    %dma_start3A_56 = arith.constant 2000 : i32
    %dma_start3A_57 = tpu.memref_slice %arg6[%dma_start3A_56] : memref<32000xf32, #tpu.memory_space<vmem>> -> memref<2000xf32, #tpu.memory_space<vmem>>
    %dma_start3A_58 = tpu.memref_slice %arg2[%add3A_52] : memref<25600000xf32, #tpu.memory_space<hbm>> -> memref<2000xf32, #tpu.memory_space<hbm>>
    tpu.enqueue_dma source(%dma_start3A_58 : memref<2000xf32, #tpu.memory_space<hbm>>) target(%dma_start3A_57 : memref<2000xf32, #tpu.memory_space<vmem>>) target_semaphore(%arg10 : memref<!tpu.dma_semaphore, #tpu.memory_space<semaphore_mem>>)
    %add3A_59 = arith.constant 2 : i32
    %add3A_60 = arith.addi %mul3A_2, %add3A_59 : i32
    %mul3A_61 = arith.constant 100000 : i32
    %mul3A_62 = arith.muli %add3A_60, %mul3A_61 : i32
    %add3A_63 = arith.constant 0 : i32
    %add3A_64 = arith.addi %mul3A_62, %add3A_63 : i32
    %dma_start3A_65 = arith.constant 4000 : i32
    %dma_start3A_66 = tpu.memref_slice %arg6[%dma_start3A_65] : memref<32000xf32, #tpu.memory_space<vmem>> -> memref<2000xf32, #tpu.memory_space<vmem>>
    %dma_start3A_67 = tpu.memref_slice %arg2[%add3A_64] : memref<25600000xf32, #tpu.memory_space<hbm>> -> memref<2000xf32, #tpu.memory_space<hbm>>
    %dma_start3A_68 = arith.constant 4000 : i32
    %dma_start3A_69 = tpu.memref_slice %arg6[%dma_start3A_68] : memref<32000xf32, #tpu.memory_space<vmem>> -> memref<2000xf32, #tpu.memory_space<vmem>>
    %dma_start3A_70 = tpu.memref_slice %arg2[%add3A_64] : memref<25600000xf32, #tpu.memory_space<hbm>> -> memref<2000xf32, #tpu.memory_space<hbm>>
    tpu.enqueue_dma source(%dma_start3A_70 : memref<2000xf32, #tpu.memory_space<hbm>>) target(%dma_start3A_69 : memref<2000xf32, #tpu.memory_space<vmem>>) target_semaphore(%arg10 : memref<!tpu.dma_semaphore, #tpu.memory_space<semaphore_mem>>)
    %add3A_71 = arith.constant 3 : i32
    %add3A_72 = arith.addi %mul3A_2, %add3A_71 : i32
    %mul3A_73 = arith.constant 100000 : i32
    %mul3A_74 = arith.muli %add3A_72, %mul3A_73 : i32
    %add3A_75 = arith.constant 0 : i32
    %add3A_76 = arith.addi %mul3A_74, %add3A_75 : i32
    %dma_start3A_77 = arith.constant 6000 : i32
    %dma_start3A_78 = tpu.memref_slice %arg6[%dma_start3A_77] : memref<32000xf32, #tpu.memory_space<vmem>> -> memref<2000xf32, #tpu.memory_space<vmem>>
    %dma_start3A_79 = tpu.memref_slice %arg2[%add3A_76] : memref<25600000xf32, #tpu.memory_space<hbm>> -> memref<2000xf32, #tpu.memory_space<hbm>>
    %dma_start3A_80 = arith.constant 6000 : i32
    %dma_start3A_81 = tpu.memref_slice %arg6[%dma_start3A_80] : memref<32000xf32, #tpu.memory_space<vmem>> -> memref<2000xf32, #tpu.memory_space<vmem>>
    %dma_start3A_82 = tpu.memref_slice %arg2[%add3A_76] : memref<25600000xf32, #tpu.memory_space<hbm>> -> memref<2000xf32, #tpu.memory_space<hbm>>
    tpu.enqueue_dma source(%dma_start3A_82 : memref<2000xf32, #tpu.memory_space<hbm>>) target(%dma_start3A_81 : memref<2000xf32, #tpu.memory_space<vmem>>) target_semaphore(%arg10 : memref<!tpu.dma_semaphore, #tpu.memory_space<semaphore_mem>>)
    %add3A_83 = arith.constant 4 : i32
    %add3A_84 = arith.addi %mul3A_2, %add3A_83 : i32
    %mul3A_85 = arith.constant 100000 : i32
    %mul3A_86 = arith.muli %add3A_84, %mul3A_85 : i32
    %add3A_87 = arith.constant 0 : i32
    %add3A_88 = arith.addi %mul3A_86, %add3A_87 : i32
    %dma_start3A_89 = arith.constant 8000 : i32
    %dma_start3A_90 = tpu.memref_slice %arg6[%dma_start3A_89] : memref<32000xf32, #tpu.memory_space<vmem>> -> memref<2000xf32, #tpu.memory_space<vmem>>
    %dma_start3A_91 = tpu.memref_slice %arg2[%add3A_88] : memref<25600000xf32, #tpu.memory_space<hbm>> -> memref<2000xf32, #tpu.memory_space<hbm>>
    %dma_start3A_92 = arith.constant 8000 : i32
    %dma_start3A_93 = tpu.memref_slice %arg6[%dma_start3A_92] : memref<32000xf32, #tpu.memory_space<vmem>> -> memref<2000xf32, #tpu.memory_space<vmem>>
    %dma_start3A_94 = tpu.memref_slice %arg2[%add3A_88] : memref<25600000xf32, #tpu.memory_space<hbm>> -> memref<2000xf32, #tpu.memory_space<hbm>>
    tpu.enqueue_dma source(%dma_start3A_94 : memref<2000xf32, #tpu.memory_space<hbm>>) target(%dma_start3A_93 : memref<2000xf32, #tpu.memory_space<vmem>>) target_semaphore(%arg10 : memref<!tpu.dma_semaphore, #tpu.memory_space<semaphore_mem>>)
    %add3A_95 = arith.constant 5 : i32
    %add3A_96 = arith.addi %mul3A_2, %add3A_95 : i32
    %mul3A_97 = arith.constant 100000 : i32
    %mul3A_98 = arith.muli %add3A_96, %mul3A_97 : i32
    %add3A_99 = arith.constant 0 : i32
    %add3A_100 = arith.addi %mul3A_98, %add3A_99 : i32
    %dma_start3A_101 = arith.constant 10000 : i32
    %dma_start3A_102 = tpu.memref_slice %arg6[%dma_start3A_101] : memref<32000xf32, #tpu.memory_space<vmem>> -> memref<2000xf32, #tpu.memory_space<vmem>>
    %dma_start3A_103 = tpu.memref_slice %arg2[%add3A_100] : memref<25600000xf32, #tpu.memory_space<hbm>> -> memref<2000xf32, #tpu.memory_space<hbm>>
    %dma_start3A_104 = arith.constant 10000 : i32
    %dma_start3A_105 = tpu.memref_slice %arg6[%dma_start3A_104] : memref<32000xf32, #tpu.memory_space<vmem>> -> memref<2000xf32, #tpu.memory_space<vmem>>
    %dma_start3A_106 = tpu.memref_slice %arg2[%add3A_100] : memref<25600000xf32, #tpu.memory_space<hbm>> -> memref<2000xf32, #tpu.memory_space<hbm>>
    tpu.enqueue_dma source(%dma_start3A_106 : memref<2000xf32, #tpu.memory_space<hbm>>) target(%dma_start3A_105 : memref<2000xf32, #tpu.memory_space<vmem>>) target_semaphore(%arg10 : memref<!tpu.dma_semaphore, #tpu.memory_space<semaphore_mem>>)
    %add3A_107 = arith.constant 6 : i32
    %add3A_108 = arith.addi %mul3A_2, %add3A_107 : i32
    %mul3A_109 = arith.constant 100000 : i32
    %mul3A_110 = arith.muli %add3A_108, %mul3A_109 : i32
    %add3A_111 = arith.constant 0 : i32
    %add3A_112 = arith.addi %mul3A_110, %add3A_111 : i32
    %dma_start3A_113 = arith.constant 12000 : i32
    %dma_start3A_114 = tpu.memref_slice %arg6[%dma_start3A_113] : memref<32000xf32, #tpu.memory_space<vmem>> -> memref<2000xf32, #tpu.memory_space<vmem>>
    %dma_start3A_115 = tpu.memref_slice %arg2[%add3A_112] : memref<25600000xf32, #tpu.memory_space<hbm>> -> memref<2000xf32, #tpu.memory_space<hbm>>
    %dma_start3A_116 = arith.constant 12000 : i32
    %dma_start3A_117 = tpu.memref_slice %arg6[%dma_start3A_116] : memref<32000xf32, #tpu.memory_space<vmem>> -> memref<2000xf32, #tpu.memory_space<vmem>>
    %dma_start3A_118 = tpu.memref_slice %arg2[%add3A_112] : memref<25600000xf32, #tpu.memory_space<hbm>> -> memref<2000xf32, #tpu.memory_space<hbm>>
    tpu.enqueue_dma source(%dma_start3A_118 : memref<2000xf32, #tpu.memory_space<hbm>>) target(%dma_start3A_117 : memref<2000xf32, #tpu.memory_space<vmem>>) target_semaphore(%arg10 : memref<!tpu.dma_semaphore, #tpu.memory_space<semaphore_mem>>)
    %add3A_119 = arith.constant 7 : i32
    %add3A_120 = arith.addi %mul3A_2, %add3A_119 : i32
    %mul3A_121 = arith.constant 100000 : i32
    %mul3A_122 = arith.muli %add3A_120, %mul3A_121 : i32
    %add3A_123 = arith.constant 0 : i32
    %add3A_124 = arith.addi %mul3A_122, %add3A_123 : i32
    %dma_start3A_125 = arith.constant 14000 : i32
    %dma_start3A_126 = tpu.memref_slice %arg6[%dma_start3A_125] : memref<32000xf32, #tpu.memory_space<vmem>> -> memref<2000xf32, #tpu.memory_space<vmem>>
    %dma_start3A_127 = tpu.memref_slice %arg2[%add3A_124] : memref<25600000xf32, #tpu.memory_space<hbm>> -> memref<2000xf32, #tpu.memory_space<hbm>>
    %dma_start3A_128 = arith.constant 14000 : i32
    %dma_start3A_129 = tpu.memref_slice %arg6[%dma_start3A_128] : memref<32000xf32, #tpu.memory_space<vmem>> -> memref<2000xf32, #tpu.memory_space<vmem>>
    %dma_start3A_130 = tpu.memref_slice %arg2[%add3A_124] : memref<25600000xf32, #tpu.memory_space<hbm>> -> memref<2000xf32, #tpu.memory_space<hbm>>
    tpu.enqueue_dma source(%dma_start3A_130 : memref<2000xf32, #tpu.memory_space<hbm>>) target(%dma_start3A_129 : memref<2000xf32, #tpu.memory_space<vmem>>) target_semaphore(%arg10 : memref<!tpu.dma_semaphore, #tpu.memory_space<semaphore_mem>>)
    %scan3A = arith.constant 0 : i32
    %scan3A_131 = arith.constant 0 : i32
    %scan3A_132 = arith.constant 50 : i32
    %scan3A_133 = arith.addi %scan3A_131, %scan3A_132 : i32
    %scan3A_134 = arith.constant 1 : i32
    scf.for %scan3A_138 = %scan3A_131 to %scan3A_133 step %scan3A_134  : i32 {
      %and3A_139 = arith.constant 1 : i32
      %and3A_140 = arith.andi %scan3A_138, %and3A_139 : i32
      %dma_wait3A = arith.constant 0 : i32
      %dma_wait3A_141 = tpu.memref_slice %arg7[%dma_wait3A] : memref<4000xi32, #tpu.memory_space<vmem>> -> memref<2000xi32, #tpu.memory_space<vmem>>
      %dma_wait3A_142 = arith.constant 0 : i32
      %dma_wait3A_143 = tpu.memref_slice %arg3[%dma_wait3A_142] : memref<100000xi32, #tpu.memory_space<hbm>> -> memref<2000xi32, #tpu.memory_space<hbm>>
      %dma_wait3A_144 = arith.constant 0 : i32
      %dma_wait3A_145 = tpu.memref_slice %arg7[%dma_wait3A_144] : memref<4000xi32, #tpu.memory_space<vmem>> -> memref<2000xi32, #tpu.memory_space<vmem>>
      %dma_wait3A_146 = arith.constant 0 : i32
      %dma_wait3A_147 = tpu.memref_slice %arg3[%dma_wait3A_146] : memref<100000xi32, #tpu.memory_space<hbm>> -> memref<2000xi32, #tpu.memory_space<hbm>>
      tpu.wait_dma2 semaphore(%arg10 : memref<!tpu.dma_semaphore, #tpu.memory_space<semaphore_mem>>) src(%dma_wait3A_147 : memref<2000xi32, #tpu.memory_space<hbm>>) dst(%dma_wait3A_145 : memref<2000xi32, #tpu.memory_space<vmem>>)
      %dma_wait3A_148 = arith.constant 0 : i32
      %dma_wait3A_149 = tpu.memref_slice %arg8[%dma_wait3A_148] : memref<4000xf32, #tpu.memory_space<vmem>> -> memref<2000xf32, #tpu.memory_space<vmem>>
      %dma_wait3A_150 = arith.constant 0 : i32
      %dma_wait3A_151 = tpu.memref_slice %arg4[%dma_wait3A_150] : memref<100000xf32, #tpu.memory_space<hbm>> -> memref<2000xf32, #tpu.memory_space<hbm>>
      %dma_wait3A_152 = arith.constant 0 : i32
      %dma_wait3A_153 = tpu.memref_slice %arg8[%dma_wait3A_152] : memref<4000xf32, #tpu.memory_space<vmem>> -> memref<2000xf32, #tpu.memory_space<vmem>>
      %dma_wait3A_154 = arith.constant 0 : i32
      %dma_wait3A_155 = tpu.memref_slice %arg4[%dma_wait3A_154] : memref<100000xf32, #tpu.memory_space<hbm>> -> memref<2000xf32, #tpu.memory_space<hbm>>
      tpu.wait_dma2 semaphore(%arg10 : memref<!tpu.dma_semaphore, #tpu.memory_space<semaphore_mem>>) src(%dma_wait3A_155 : memref<2000xf32, #tpu.memory_space<hbm>>) dst(%dma_wait3A_153 : memref<2000xf32, #tpu.memory_space<vmem>>)
      %dma_wait3A_156 = arith.constant 0 : i32
      %dma_wait3A_157 = tpu.memref_slice %arg6[%dma_wait3A_156] : memref<32000xf32, #tpu.memory_space<vmem>> -> memref<2000xf32, #tpu.memory_space<vmem>>
      %dma_wait3A_158 = arith.constant 0 : i32
      %dma_wait3A_159 = tpu.memref_slice %arg2[%dma_wait3A_158] : memref<25600000xf32, #tpu.memory_space<hbm>> -> memref<2000xf32, #tpu.memory_space<hbm>>
      %dma_wait3A_160 = arith.constant 0 : i32
      %dma_wait3A_161 = tpu.memref_slice %arg6[%dma_wait3A_160] : memref<32000xf32, #tpu.memory_space<vmem>> -> memref<2000xf32, #tpu.memory_space<vmem>>
      %dma_wait3A_162 = arith.constant 0 : i32
      %dma_wait3A_163 = tpu.memref_slice %arg2[%dma_wait3A_162] : memref<25600000xf32, #tpu.memory_space<hbm>> -> memref<2000xf32, #tpu.memory_space<hbm>>
      tpu.wait_dma2 semaphore(%arg10 : memref<!tpu.dma_semaphore, #tpu.memory_space<semaphore_mem>>) src(%dma_wait3A_163 : memref<2000xf32, #tpu.memory_space<hbm>>) dst(%dma_wait3A_161 : memref<2000xf32, #tpu.memory_space<vmem>>)
      %dma_wait3A_164 = arith.constant 0 : i32
      %dma_wait3A_165 = tpu.memref_slice %arg6[%dma_wait3A_164] : memref<32000xf32, #tpu.memory_space<vmem>> -> memref<2000xf32, #tpu.memory_space<vmem>>
      %dma_wait3A_166 = arith.constant 0 : i32
      %dma_wait3A_167 = tpu.memref_slice %arg2[%dma_wait3A_166] : memref<25600000xf32, #tpu.memory_space<hbm>> -> memref<2000xf32, #tpu.memory_space<hbm>>
      %dma_wait3A_168 = arith.constant 0 : i32
      %dma_wait3A_169 = tpu.memref_slice %arg6[%dma_wait3A_168] : memref<32000xf32, #tpu.memory_space<vmem>> -> memref<2000xf32, #tpu.memory_space<vmem>>
      %dma_wait3A_170 = arith.constant 0 : i32
      %dma_wait3A_171 = tpu.memref_slice %arg2[%dma_wait3A_170] : memref<25600000xf32, #tpu.memory_space<hbm>> -> memref<2000xf32, #tpu.memory_space<hbm>>
      tpu.wait_dma2 semaphore(%arg10 : memref<!tpu.dma_semaphore, #tpu.memory_space<semaphore_mem>>) src(%dma_wait3A_171 : memref<2000xf32, #tpu.memory_space<hbm>>) dst(%dma_wait3A_169 : memref<2000xf32, #tpu.memory_space<vmem>>)
      %dma_wait3A_172 = arith.constant 0 : i32
      %dma_wait3A_173 = tpu.memref_slice %arg6[%dma_wait3A_172] : memref<32000xf32, #tpu.memory_space<vmem>> -> memref<2000xf32, #tpu.memory_space<vmem>>
      %dma_wait3A_174 = arith.constant 0 : i32
      %dma_wait3A_175 = tpu.memref_slice %arg2[%dma_wait3A_174] : memref<25600000xf32, #tpu.memory_space<hbm>> -> memref<2000xf32, #tpu.memory_space<hbm>>
      %dma_wait3A_176 = arith.constant 0 : i32
      %dma_wait3A_177 = tpu.memref_slice %arg6[%dma_wait3A_176] : memref<32000xf32, #tpu.memory_space<vmem>> -> memref<2000xf32, #tpu.memory_space<vmem>>
      %dma_wait3A_178 = arith.constant 0 : i32
      %dma_wait3A_179 = tpu.memref_slice %arg2[%dma_wait3A_178] : memref<25600000xf32, #tpu.memory_space<hbm>> -> memref<2000xf32, #tpu.memory_space<hbm>>
      tpu.wait_dma2 semaphore(%arg10 : memref<!tpu.dma_semaphore, #tpu.memory_space<semaphore_mem>>) src(%dma_wait3A_179 : memref<2000xf32, #tpu.memory_space<hbm>>) dst(%dma_wait3A_177 : memref<2000xf32, #tpu.memory_space<vmem>>)
      %dma_wait3A_180 = arith.constant 0 : i32
      %dma_wait3A_181 = tpu.memref_slice %arg6[%dma_wait3A_180] : memref<32000xf32, #tpu.memory_space<vmem>> -> memref<2000xf32, #tpu.memory_space<vmem>>
      %dma_wait3A_182 = arith.constant 0 : i32
      %dma_wait3A_183 = tpu.memref_slice %arg2[%dma_wait3A_182] : memref<25600000xf32, #tpu.memory_space<hbm>> -> memref<2000xf32, #tpu.memory_space<hbm>>
      %dma_wait3A_184 = arith.constant 0 : i32
      %dma_wait3A_185 = tpu.memref_slice %arg6[%dma_wait3A_184] : memref<32000xf32, #tpu.memory_space<vmem>> -> memref<2000xf32, #tpu.memory_space<vmem>>
      %dma_wait3A_186 = arith.constant 0 : i32
      %dma_wait3A_187 = tpu.memref_slice %arg2[%dma_wait3A_186] : memref<25600000xf32, #tpu.memory_space<hbm>> -> memref<2000xf32, #tpu.memory_space<hbm>>
      tpu.wait_dma2 semaphore(%arg10 : memref<!tpu.dma_semaphore, #tpu.memory_space<semaphore_mem>>) src(%dma_wait3A_187 : memref<2000xf32, #tpu.memory_space<hbm>>) dst(%dma_wait3A_185 : memref<2000xf32, #tpu.memory_space<vmem>>)
      %dma_wait3A_188 = arith.constant 0 : i32
      %dma_wait3A_189 = tpu.memref_slice %arg6[%dma_wait3A_188] : memref<32000xf32, #tpu.memory_space<vmem>> -> memref<2000xf32, #tpu.memory_space<vmem>>
      %dma_wait3A_190 = arith.constant 0 : i32
      %dma_wait3A_191 = tpu.memref_slice %arg2[%dma_wait3A_190] : memref<25600000xf32, #tpu.memory_space<hbm>> -> memref<2000xf32, #tpu.memory_space<hbm>>
      %dma_wait3A_192 = arith.constant 0 : i32
      %dma_wait3A_193 = tpu.memref_slice %arg6[%dma_wait3A_192] : memref<32000xf32, #tpu.memory_space<vmem>> -> memref<2000xf32, #tpu.memory_space<vmem>>
      %dma_wait3A_194 = arith.constant 0 : i32
      %dma_wait3A_195 = tpu.memref_slice %arg2[%dma_wait3A_194] : memref<25600000xf32, #tpu.memory_space<hbm>> -> memref<2000xf32, #tpu.memory_space<hbm>>
      tpu.wait_dma2 semaphore(%arg10 : memref<!tpu.dma_semaphore, #tpu.memory_space<semaphore_mem>>) src(%dma_wait3A_195 : memref<2000xf32, #tpu.memory_space<hbm>>) dst(%dma_wait3A_193 : memref<2000xf32, #tpu.memory_space<vmem>>)
      %dma_wait3A_196 = arith.constant 0 : i32
      %dma_wait3A_197 = tpu.memref_slice %arg6[%dma_wait3A_196] : memref<32000xf32, #tpu.memory_space<vmem>> -> memref<2000xf32, #tpu.memory_space<vmem>>
      %dma_wait3A_198 = arith.constant 0 : i32
      %dma_wait3A_199 = tpu.memref_slice %arg2[%dma_wait3A_198] : memref<25600000xf32, #tpu.memory_space<hbm>> -> memref<2000xf32, #tpu.memory_space<hbm>>
      %dma_wait3A_200 = arith.constant 0 : i32
      %dma_wait3A_201 = tpu.memref_slice %arg6[%dma_wait3A_200] : memref<32000xf32, #tpu.memory_space<vmem>> -> memref<2000xf32, #tpu.memory_space<vmem>>
      %dma_wait3A_202 = arith.constant 0 : i32
      %dma_wait3A_203 = tpu.memref_slice %arg2[%dma_wait3A_202] : memref<25600000xf32, #tpu.memory_space<hbm>> -> memref<2000xf32, #tpu.memory_space<hbm>>
      tpu.wait_dma2 semaphore(%arg10 : memref<!tpu.dma_semaphore, #tpu.memory_space<semaphore_mem>>) src(%dma_wait3A_203 : memref<2000xf32, #tpu.memory_space<hbm>>) dst(%dma_wait3A_201 : memref<2000xf32, #tpu.memory_space<vmem>>)
      %dma_wait3A_204 = arith.constant 0 : i32
      %dma_wait3A_205 = tpu.memref_slice %arg6[%dma_wait3A_204] : memref<32000xf32, #tpu.memory_space<vmem>> -> memref<2000xf32, #tpu.memory_space<vmem>>
      %dma_wait3A_206 = arith.constant 0 : i32
      %dma_wait3A_207 = tpu.memref_slice %arg2[%dma_wait3A_206] : memref<25600000xf32, #tpu.memory_space<hbm>> -> memref<2000xf32, #tpu.memory_space<hbm>>
      %dma_wait3A_208 = arith.constant 0 : i32
      %dma_wait3A_209 = tpu.memref_slice %arg6[%dma_wait3A_208] : memref<32000xf32, #tpu.memory_space<vmem>> -> memref<2000xf32, #tpu.memory_space<vmem>>
      %dma_wait3A_210 = arith.constant 0 : i32
      %dma_wait3A_211 = tpu.memref_slice %arg2[%dma_wait3A_210] : memref<25600000xf32, #tpu.memory_space<hbm>> -> memref<2000xf32, #tpu.memory_space<hbm>>
      tpu.wait_dma2 semaphore(%arg10 : memref<!tpu.dma_semaphore, #tpu.memory_space<semaphore_mem>>) src(%dma_wait3A_211 : memref<2000xf32, #tpu.memory_space<hbm>>) dst(%dma_wait3A_209 : memref<2000xf32, #tpu.memory_space<vmem>>)
      %dma_wait3A_212 = arith.constant 0 : i32
      %dma_wait3A_213 = tpu.memref_slice %arg6[%dma_wait3A_212] : memref<32000xf32, #tpu.memory_space<vmem>> -> memref<2000xf32, #tpu.memory_space<vmem>>
      %dma_wait3A_214 = arith.constant 0 : i32
      %dma_wait3A_215 = tpu.memref_slice %arg2[%dma_wait3A_214] : memref<25600000xf32, #tpu.memory_space<hbm>> -> memref<2000xf32, #tpu.memory_space<hbm>>
      %dma_wait3A_216 = arith.constant 0 : i32
      %dma_wait3A_217 = tpu.memref_slice %arg6[%dma_wait3A_216] : memref<32000xf32, #tpu.memory_space<vmem>> -> memref<2000xf32, #tpu.memory_space<vmem>>
      %dma_wait3A_218 = arith.constant 0 : i32
      %dma_wait3A_219 = tpu.memref_slice %arg2[%dma_wait3A_218] : memref<25600000xf32, #tpu.memory_space<hbm>> -> memref<2000xf32, #tpu.memory_space<hbm>>
      tpu.wait_dma2 semaphore(%arg10 : memref<!tpu.dma_semaphore, #tpu.memory_space<semaphore_mem>>) src(%dma_wait3A_219 : memref<2000xf32, #tpu.memory_space<hbm>>) dst(%dma_wait3A_217 : memref<2000xf32, #tpu.memory_space<vmem>>)
      %add3A_220 = arith.constant 1 : i32
      %add3A_221 = arith.addi %scan3A_138, %add3A_220 : i32
      %lt3A = arith.constant 50 : i32
      %lt3A_222 = arith.cmpi slt, %add3A_221, %lt3A : i32
      %convert_element_type3A = arith.extui %lt3A_222 : i1 to i32
      %cond3A = arith.constant 0 : i32
      %cond3A_223 = arith.cmpi ne, %convert_element_type3A, %cond3A : i32
      scf.if %cond3A_223 {
        %add3A_241 = arith.constant 1 : i32
        %add3A_242 = arith.addi %scan3A_138, %add3A_241 : i32
        %sub3A_243 = arith.constant 1 : i32
        %sub3A_244 = arith.subi %sub3A_243, %and3A_140 : i32
        %mul3A_245 = arith.constant 2000 : i32
        %mul3A_246 = arith.muli %add3A_242, %mul3A_245 : i32
        %mul3A_247 = arith.constant 2000 : i32
        %mul3A_248 = arith.muli %sub3A_244, %mul3A_247 : i32
        %dma_start3A_249 = tpu.memref_slice %arg7[%mul3A_248] : memref<4000xi32, #tpu.memory_space<vmem>> -> memref<2000xi32, #tpu.memory_space<vmem>>
        %dma_start3A_250 = tpu.memref_slice %arg3[%mul3A_246] : memref<100000xi32, #tpu.memory_space<hbm>> -> memref<2000xi32, #tpu.memory_space<hbm>>
        %dma_start3A_251 = tpu.memref_slice %arg7[%mul3A_248] : memref<4000xi32, #tpu.memory_space<vmem>> -> memref<2000xi32, #tpu.memory_space<vmem>>
        %dma_start3A_252 = tpu.memref_slice %arg3[%mul3A_246] : memref<100000xi32, #tpu.memory_space<hbm>> -> memref<2000xi32, #tpu.memory_space<hbm>>
        tpu.enqueue_dma source(%dma_start3A_252 : memref<2000xi32, #tpu.memory_space<hbm>>) target(%dma_start3A_251 : memref<2000xi32, #tpu.memory_space<vmem>>) target_semaphore(%arg10 : memref<!tpu.dma_semaphore, #tpu.memory_space<semaphore_mem>>)
        %mul3A_253 = arith.constant 2000 : i32
        %mul3A_254 = arith.muli %sub3A_244, %mul3A_253 : i32
        %dma_start3A_255 = tpu.memref_slice %arg8[%mul3A_254] : memref<4000xf32, #tpu.memory_space<vmem>> -> memref<2000xf32, #tpu.memory_space<vmem>>
        %dma_start3A_256 = tpu.memref_slice %arg4[%mul3A_246] : memref<100000xf32, #tpu.memory_space<hbm>> -> memref<2000xf32, #tpu.memory_space<hbm>>
        %dma_start3A_257 = tpu.memref_slice %arg8[%mul3A_254] : memref<4000xf32, #tpu.memory_space<vmem>> -> memref<2000xf32, #tpu.memory_space<vmem>>
        %dma_start3A_258 = tpu.memref_slice %arg4[%mul3A_246] : memref<100000xf32, #tpu.memory_space<hbm>> -> memref<2000xf32, #tpu.memory_space<hbm>>
        tpu.enqueue_dma source(%dma_start3A_258 : memref<2000xf32, #tpu.memory_space<hbm>>) target(%dma_start3A_257 : memref<2000xf32, #tpu.memory_space<vmem>>) target_semaphore(%arg10 : memref<!tpu.dma_semaphore, #tpu.memory_space<semaphore_mem>>)
        %add3A_259 = arith.constant 0 : i32
        %add3A_260 = arith.addi %mul3A_2, %add3A_259 : i32
        %mul3A_261 = arith.constant 100000 : i32
        %mul3A_262 = arith.muli %add3A_260, %mul3A_261 : i32
        %add3A_263 = arith.addi %mul3A_262, %mul3A_246 : i32
        %mul3A_264 = arith.constant 8 : i32
        %mul3A_265 = arith.muli %sub3A_244, %mul3A_264 : i32
        %add3A_266 = arith.constant 0 : i32
        %add3A_267 = arith.addi %mul3A_265, %add3A_266 : i32
        %mul3A_268 = arith.constant 2000 : i32
        %mul3A_269 = arith.muli %add3A_267, %mul3A_268 : i32
        %dma_start3A_270 = tpu.memref_slice %arg6[%mul3A_269] : memref<32000xf32, #tpu.memory_space<vmem>> -> memref<2000xf32, #tpu.memory_space<vmem>>
        %dma_start3A_271 = tpu.memref_slice %arg2[%add3A_263] : memref<25600000xf32, #tpu.memory_space<hbm>> -> memref<2000xf32, #tpu.memory_space<hbm>>
        %dma_start3A_272 = tpu.memref_slice %arg6[%mul3A_269] : memref<32000xf32, #tpu.memory_space<vmem>> -> memref<2000xf32, #tpu.memory_space<vmem>>
        %dma_start3A_273 = tpu.memref_slice %arg2[%add3A_263] : memref<25600000xf32, #tpu.memory_space<hbm>> -> memref<2000xf32, #tpu.memory_space<hbm>>
        tpu.enqueue_dma source(%dma_start3A_273 : memref<2000xf32, #tpu.memory_space<hbm>>) target(%dma_start3A_272 : memref<2000xf32, #tpu.memory_space<vmem>>) target_semaphore(%arg10 : memref<!tpu.dma_semaphore, #tpu.memory_space<semaphore_mem>>)
        %add3A_274 = arith.constant 1 : i32
        %add3A_275 = arith.addi %mul3A_2, %add3A_274 : i32
        %mul3A_276 = arith.constant 100000 : i32
        %mul3A_277 = arith.muli %add3A_275, %mul3A_276 : i32
        %add3A_278 = arith.addi %mul3A_277, %mul3A_246 : i32
        %mul3A_279 = arith.constant 8 : i32
        %mul3A_280 = arith.muli %sub3A_244, %mul3A_279 : i32
        %add3A_281 = arith.constant 1 : i32
        %add3A_282 = arith.addi %mul3A_280, %add3A_281 : i32
        %mul3A_283 = arith.constant 2000 : i32
        %mul3A_284 = arith.muli %add3A_282, %mul3A_283 : i32
        %dma_start3A_285 = tpu.memref_slice %arg6[%mul3A_284] : memref<32000xf32, #tpu.memory_space<vmem>> -> memref<2000xf32, #tpu.memory_space<vmem>>
        %dma_start3A_286 = tpu.memref_slice %arg2[%add3A_278] : memref<25600000xf32, #tpu.memory_space<hbm>> -> memref<2000xf32, #tpu.memory_space<hbm>>
        %dma_start3A_287 = tpu.memref_slice %arg6[%mul3A_284] : memref<32000xf32, #tpu.memory_space<vmem>> -> memref<2000xf32, #tpu.memory_space<vmem>>
        %dma_start3A_288 = tpu.memref_slice %arg2[%add3A_278] : memref<25600000xf32, #tpu.memory_space<hbm>> -> memref<2000xf32, #tpu.memory_space<hbm>>
        tpu.enqueue_dma source(%dma_start3A_288 : memref<2000xf32, #tpu.memory_space<hbm>>) target(%dma_start3A_287 : memref<2000xf32, #tpu.memory_space<vmem>>) target_semaphore(%arg10 : memref<!tpu.dma_semaphore, #tpu.memory_space<semaphore_mem>>)
        %add3A_289 = arith.constant 2 : i32
        %add3A_290 = arith.addi %mul3A_2, %add3A_289 : i32
        %mul3A_291 = arith.constant 100000 : i32
        %mul3A_292 = arith.muli %add3A_290, %mul3A_291 : i32
        %add3A_293 = arith.addi %mul3A_292, %mul3A_246 : i32
        %mul3A_294 = arith.constant 8 : i32
        %mul3A_295 = arith.muli %sub3A_244, %mul3A_294 : i32
        %add3A_296 = arith.constant 2 : i32
        %add3A_297 = arith.addi %mul3A_295, %add3A_296 : i32
        %mul3A_298 = arith.constant 2000 : i32
        %mul3A_299 = arith.muli %add3A_297, %mul3A_298 : i32
        %dma_start3A_300 = tpu.memref_slice %arg6[%mul3A_299] : memref<32000xf32, #tpu.memory_space<vmem>> -> memref<2000xf32, #tpu.memory_space<vmem>>
        %dma_start3A_301 = tpu.memref_slice %arg2[%add3A_293] : memref<25600000xf32, #tpu.memory_space<hbm>> -> memref<2000xf32, #tpu.memory_space<hbm>>
        %dma_start3A_302 = tpu.memref_slice %arg6[%mul3A_299] : memref<32000xf32, #tpu.memory_space<vmem>> -> memref<2000xf32, #tpu.memory_space<vmem>>
        %dma_start3A_303 = tpu.memref_slice %arg2[%add3A_293] : memref<25600000xf32, #tpu.memory_space<hbm>> -> memref<2000xf32, #tpu.memory_space<hbm>>
        tpu.enqueue_dma source(%dma_start3A_303 : memref<2000xf32, #tpu.memory_space<hbm>>) target(%dma_start3A_302 : memref<2000xf32, #tpu.memory_space<vmem>>) target_semaphore(%arg10 : memref<!tpu.dma_semaphore, #tpu.memory_space<semaphore_mem>>)
        %add3A_304 = arith.constant 3 : i32
        %add3A_305 = arith.addi %mul3A_2, %add3A_304 : i32
        %mul3A_306 = arith.constant 100000 : i32
        %mul3A_307 = arith.muli %add3A_305, %mul3A_306 : i32
        %add3A_308 = arith.addi %mul3A_307, %mul3A_246 : i32
        %mul3A_309 = arith.constant 8 : i32
        %mul3A_310 = arith.muli %sub3A_244, %mul3A_309 : i32
        %add3A_311 = arith.constant 3 : i32
        %add3A_312 = arith.addi %mul3A_310, %add3A_311 : i32
        %mul3A_313 = arith.constant 2000 : i32
        %mul3A_314 = arith.muli %add3A_312, %mul3A_313 : i32
        %dma_start3A_315 = tpu.memref_slice %arg6[%mul3A_314] : memref<32000xf32, #tpu.memory_space<vmem>> -> memref<2000xf32, #tpu.memory_space<vmem>>
        %dma_start3A_316 = tpu.memref_slice %arg2[%add3A_308] : memref<25600000xf32, #tpu.memory_space<hbm>> -> memref<2000xf32, #tpu.memory_space<hbm>>
        %dma_start3A_317 = tpu.memref_slice %arg6[%mul3A_314] : memref<32000xf32, #tpu.memory_space<vmem>> -> memref<2000xf32, #tpu.memory_space<vmem>>
        %dma_start3A_318 = tpu.memref_slice %arg2[%add3A_308] : memref<25600000xf32, #tpu.memory_space<hbm>> -> memref<2000xf32, #tpu.memory_space<hbm>>
        tpu.enqueue_dma source(%dma_start3A_318 : memref<2000xf32, #tpu.memory_space<hbm>>) target(%dma_start3A_317 : memref<2000xf32, #tpu.memory_space<vmem>>) target_semaphore(%arg10 : memref<!tpu.dma_semaphore, #tpu.memory_space<semaphore_mem>>)
        %add3A_319 = arith.constant 4 : i32
        %add3A_320 = arith.addi %mul3A_2, %add3A_319 : i32
        %mul3A_321 = arith.constant 100000 : i32
        %mul3A_322 = arith.muli %add3A_320, %mul3A_321 : i32
        %add3A_323 = arith.addi %mul3A_322, %mul3A_246 : i32
        %mul3A_324 = arith.constant 8 : i32
        %mul3A_325 = arith.muli %sub3A_244, %mul3A_324 : i32
        %add3A_326 = arith.constant 4 : i32
        %add3A_327 = arith.addi %mul3A_325, %add3A_326 : i32
        %mul3A_328 = arith.constant 2000 : i32
        %mul3A_329 = arith.muli %add3A_327, %mul3A_328 : i32
        %dma_start3A_330 = tpu.memref_slice %arg6[%mul3A_329] : memref<32000xf32, #tpu.memory_space<vmem>> -> memref<2000xf32, #tpu.memory_space<vmem>>
        %dma_start3A_331 = tpu.memref_slice %arg2[%add3A_323] : memref<25600000xf32, #tpu.memory_space<hbm>> -> memref<2000xf32, #tpu.memory_space<hbm>>
        %dma_start3A_332 = tpu.memref_slice %arg6[%mul3A_329] : memref<32000xf32, #tpu.memory_space<vmem>> -> memref<2000xf32, #tpu.memory_space<vmem>>
        %dma_start3A_333 = tpu.memref_slice %arg2[%add3A_323] : memref<25600000xf32, #tpu.memory_space<hbm>> -> memref<2000xf32, #tpu.memory_space<hbm>>
        tpu.enqueue_dma source(%dma_start3A_333 : memref<2000xf32, #tpu.memory_space<hbm>>) target(%dma_start3A_332 : memref<2000xf32, #tpu.memory_space<vmem>>) target_semaphore(%arg10 : memref<!tpu.dma_semaphore, #tpu.memory_space<semaphore_mem>>)
        %add3A_334 = arith.constant 5 : i32
        %add3A_335 = arith.addi %mul3A_2, %add3A_334 : i32
        %mul3A_336 = arith.constant 100000 : i32
        %mul3A_337 = arith.muli %add3A_335, %mul3A_336 : i32
        %add3A_338 = arith.addi %mul3A_337, %mul3A_246 : i32
        %mul3A_339 = arith.constant 8 : i32
        %mul3A_340 = arith.muli %sub3A_244, %mul3A_339 : i32
        %add3A_341 = arith.constant 5 : i32
        %add3A_342 = arith.addi %mul3A_340, %add3A_341 : i32
        %mul3A_343 = arith.constant 2000 : i32
        %mul3A_344 = arith.muli %add3A_342, %mul3A_343 : i32
        %dma_start3A_345 = tpu.memref_slice %arg6[%mul3A_344] : memref<32000xf32, #tpu.memory_space<vmem>> -> memref<2000xf32, #tpu.memory_space<vmem>>
        %dma_start3A_346 = tpu.memref_slice %arg2[%add3A_338] : memref<25600000xf32, #tpu.memory_space<hbm>> -> memref<2000xf32, #tpu.memory_space<hbm>>
        %dma_start3A_347 = tpu.memref_slice %arg6[%mul3A_344] : memref<32000xf32, #tpu.memory_space<vmem>> -> memref<2000xf32, #tpu.memory_space<vmem>>
        %dma_start3A_348 = tpu.memref_slice %arg2[%add3A_338] : memref<25600000xf32, #tpu.memory_space<hbm>> -> memref<2000xf32, #tpu.memory_space<hbm>>
        tpu.enqueue_dma source(%dma_start3A_348 : memref<2000xf32, #tpu.memory_space<hbm>>) target(%dma_start3A_347 : memref<2000xf32, #tpu.memory_space<vmem>>) target_semaphore(%arg10 : memref<!tpu.dma_semaphore, #tpu.memory_space<semaphore_mem>>)
        %add3A_349 = arith.constant 6 : i32
        %add3A_350 = arith.addi %mul3A_2, %add3A_349 : i32
        %mul3A_351 = arith.constant 100000 : i32
        %mul3A_352 = arith.muli %add3A_350, %mul3A_351 : i32
        %add3A_353 = arith.addi %mul3A_352, %mul3A_246 : i32
        %mul3A_354 = arith.constant 8 : i32
        %mul3A_355 = arith.muli %sub3A_244, %mul3A_354 : i32
        %add3A_356 = arith.constant 6 : i32
        %add3A_357 = arith.addi %mul3A_355, %add3A_356 : i32
        %mul3A_358 = arith.constant 2000 : i32
        %mul3A_359 = arith.muli %add3A_357, %mul3A_358 : i32
        %dma_start3A_360 = tpu.memref_slice %arg6[%mul3A_359] : memref<32000xf32, #tpu.memory_space<vmem>> -> memref<2000xf32, #tpu.memory_space<vmem>>
        %dma_start3A_361 = tpu.memref_slice %arg2[%add3A_353] : memref<25600000xf32, #tpu.memory_space<hbm>> -> memref<2000xf32, #tpu.memory_space<hbm>>
        %dma_start3A_362 = tpu.memref_slice %arg6[%mul3A_359] : memref<32000xf32, #tpu.memory_space<vmem>> -> memref<2000xf32, #tpu.memory_space<vmem>>
        %dma_start3A_363 = tpu.memref_slice %arg2[%add3A_353] : memref<25600000xf32, #tpu.memory_space<hbm>> -> memref<2000xf32, #tpu.memory_space<hbm>>
        tpu.enqueue_dma source(%dma_start3A_363 : memref<2000xf32, #tpu.memory_space<hbm>>) target(%dma_start3A_362 : memref<2000xf32, #tpu.memory_space<vmem>>) target_semaphore(%arg10 : memref<!tpu.dma_semaphore, #tpu.memory_space<semaphore_mem>>)
        %add3A_364 = arith.constant 7 : i32
        %add3A_365 = arith.addi %mul3A_2, %add3A_364 : i32
        %mul3A_366 = arith.constant 100000 : i32
        %mul3A_367 = arith.muli %add3A_365, %mul3A_366 : i32
        %add3A_368 = arith.addi %mul3A_367, %mul3A_246 : i32
        %mul3A_369 = arith.constant 8 : i32
        %mul3A_370 = arith.muli %sub3A_244, %mul3A_369 : i32
        %add3A_371 = arith.constant 7 : i32
        %add3A_372 = arith.addi %mul3A_370, %add3A_371 : i32
        %mul3A_373 = arith.constant 2000 : i32
        %mul3A_374 = arith.muli %add3A_372, %mul3A_373 : i32
        %dma_start3A_375 = tpu.memref_slice %arg6[%mul3A_374] : memref<32000xf32, #tpu.memory_space<vmem>> -> memref<2000xf32, #tpu.memory_space<vmem>>
        %dma_start3A_376 = tpu.memref_slice %arg2[%add3A_368] : memref<25600000xf32, #tpu.memory_space<hbm>> -> memref<2000xf32, #tpu.memory_space<hbm>>
        %dma_start3A_377 = tpu.memref_slice %arg6[%mul3A_374] : memref<32000xf32, #tpu.memory_space<vmem>> -> memref<2000xf32, #tpu.memory_space<vmem>>
        %dma_start3A_378 = tpu.memref_slice %arg2[%add3A_368] : memref<25600000xf32, #tpu.memory_space<hbm>> -> memref<2000xf32, #tpu.memory_space<hbm>>
        tpu.enqueue_dma source(%dma_start3A_378 : memref<2000xf32, #tpu.memory_space<hbm>>) target(%dma_start3A_377 : memref<2000xf32, #tpu.memory_space<vmem>>) target_semaphore(%arg10 : memref<!tpu.dma_semaphore, #tpu.memory_space<semaphore_mem>>)
      } else {
      }
      %mul3A_224 = arith.constant 16000 : i32
      %mul3A_225 = arith.muli %and3A_140, %mul3A_224 : i32
      %mul3A_226 = arith.constant 2000 : i32
      %mul3A_227 = arith.muli %and3A_140, %mul3A_226 : i32
      %add3A_228 = arith.constant 2000 : i32
      %add3A_229 = arith.addi %mul3A_227, %add3A_228 : i32
      %sub3A = arith.constant 16 : i32
      %sub3A_230 = arith.subi %add3A_229, %sub3A : i32
      %get3A = arith.index_cast %sub3A_230 : i32 to index
      %get3A_231 = tpu.vector_load %arg7[%get3A] {strides = array<i32>} : memref<4000xi32, #tpu.memory_space<vmem>>, vector<16xi32>,
      %slice3A = vector.extract_strided_slice %get3A_231 {offsets = [15], sizes = [1], strides = [1]} : vector<16xi32> to vector<1xi32>
      %squeeze3A = vector.extract %slice3A[0] : i32 from vector<1xi32>
      %lt3A_232 = arith.constant 2500 : i32
      %lt3A_233 = arith.cmpi slt, %squeeze3A, %lt3A_232 : i32
      %convert_element_type3A_234 = arith.extui %lt3A_233 : i1 to i32
      %cond3A_235 = arith.constant 0 : i32
      %cond3A_236 = arith.cmpi ne, %convert_element_type3A_234, %cond3A_235 : i32
      scf.if %cond3A_236 {
        %parallel_loop3A_241 = arith.constant 0 : i32
        %parallel_loop3A_242 = arith.constant 1000 : i32
        %parallel_loop3A_243 = arith.constant 1 : i32
        scf.for %parallel_loop3A_244 = %parallel_loop3A_241 to %parallel_loop3A_242 step %parallel_loop3A_243  : i32 {
          %parallel_loop3A_245 = arith.addi %parallel_loop3A_244, %mul3A_225 : i32
          %parallel_loop3A_246 = vector.broadcast %parallel_loop3A_245 : i32 to vector<16xi32>
          %parallel_loop3A_247 = arith.addi %add3A_12, %parallel_loop3A_246 : vector<16xi32>
          %parallel_loop3A_248 = tpu.vector_load_idx %arg6[%parallel_loop3A_247] : memref<32000xf32, #tpu.memory_space<vmem>>[vector<16xi32>], vector<16xf32>,
          %parallel_loop3A_249 = arith.addi %parallel_loop3A_244, %mul3A_227 : i32
          %parallel_loop3A_250 = vector.broadcast %parallel_loop3A_249 : i32 to vector<16xi32>
          %parallel_loop3A_251 = arith.addi %select_n3A, %parallel_loop3A_250 : vector<16xi32>
          %parallel_loop3A_252 = tpu.vector_load_idx %arg7[%parallel_loop3A_251] : memref<4000xi32, #tpu.memory_space<vmem>>[vector<16xi32>], vector<16xi32>,
          %parallel_loop3A_253 = arith.addi %mul3A_15, %parallel_loop3A_252 : vector<16xi32>
          tpu.vector_store_idx %arg9[%parallel_loop3A_253], %parallel_loop3A_248 {add = true} : memref<40000xf32, #tpu.memory_space<vmem>>[vector<16xi32>], vector<16xf32>,
        } {sc.loop_unroll_factor = 8 : i64, sc.parallel_access}
      } else {
      }
      %not3A = arith.constant true
      %not3A_237 = arith.xori %lt3A_233, %not3A : i1
      %convert_element_type3A_238 = arith.extui %not3A_237 : i1 to i32
      %cond3A_239 = arith.constant 0 : i32
      %cond3A_240 = arith.cmpi ne, %convert_element_type3A_238, %cond3A_239 : i32
      scf.if %cond3A_240 {
        %parallel_loop3A_241 = arith.constant 0 : i32
        %parallel_loop3A_242 = arith.constant 1000 : i32
        %parallel_loop3A_243 = arith.constant 1 : i32
        scf.for %parallel_loop3A_244 = %parallel_loop3A_241 to %parallel_loop3A_242 step %parallel_loop3A_243  : i32 {
          %parallel_loop3A_245 = arith.addi %parallel_loop3A_244, %mul3A_227 : i32
          %parallel_loop3A_246 = vector.broadcast %parallel_loop3A_245 : i32 to vector<16xi32>
          %parallel_loop3A_247 = arith.addi %select_n3A, %parallel_loop3A_246 : vector<16xi32>
          %parallel_loop3A_248 = arith.addi %parallel_loop3A_244, %mul3A_225 : i32
          %parallel_loop3A_249 = vector.broadcast %parallel_loop3A_248 : i32 to vector<16xi32>
          %parallel_loop3A_250 = arith.addi %add3A_12, %parallel_loop3A_249 : vector<16xi32>
          %parallel_loop3A_251 = tpu.vector_load_idx %arg6[%parallel_loop3A_250] : memref<32000xf32, #tpu.memory_space<vmem>>[vector<16xi32>], vector<16xf32>,
          %parallel_loop3A_252 = tpu.vector_load_idx %arg7[%parallel_loop3A_247] : memref<4000xi32, #tpu.memory_space<vmem>>[vector<16xi32>], vector<16xi32>,
          %parallel_loop3A_253 = tpu.vector_load_idx %arg8[%parallel_loop3A_247] : memref<4000xf32, #tpu.memory_space<vmem>>[vector<16xi32>], vector<16xf32>,
          %parallel_loop3A_254 = arith.constant 2500 : i32
          %parallel_loop3A_255 = vector.broadcast %parallel_loop3A_254 : i32 to vector<16xi32>
          %parallel_loop3A_256 = arith.cmpi sge, %parallel_loop3A_252, %parallel_loop3A_255 : vector<16xi32>
          %parallel_loop3A_257 = arith.constant 1.000000e+00 : f32
          %parallel_loop3A_258 = vector.broadcast %parallel_loop3A_257 : f32 to vector<16xf32>
          %parallel_loop3A_259 = arith.select %parallel_loop3A_256, %parallel_loop3A_253, %parallel_loop3A_258 : vector<16xi1>, vector<16xf32>
          %parallel_loop3A_260 = arith.addi %mul3A_15, %parallel_loop3A_252 : vector<16xi32>
          %parallel_loop3A_261 = arith.mulf %parallel_loop3A_251, %parallel_loop3A_259 : vector<16xf32>
          tpu.vector_store_idx %arg9[%parallel_loop3A_260], %parallel_loop3A_261 {add = true} : memref<40000xf32, #tpu.memory_space<vmem>>[vector<16xi32>], vector<16xf32>,
        } {sc.loop_unroll_factor = 8 : i64, sc.parallel_access}
      } else {
      }
    }
    %scan3A_135 = arith.constant 50 : i32
    %mul3A_136 = arith.constant 5000 : i32
    %mul3A_137 = arith.muli %mul3A_2, %mul3A_136 : i32
    "tpu.region"() ({
      %run_scoped3A = tpu.sem_alloc : memref<!tpu.dma_semaphore, #tpu.memory_space<semaphore_mem>>
      %dma_start3A_138 = tpu.memref_slice %arg5[%mul3A_137] : memref<1280000xf32, #tpu.memory_space<hbm>> -> memref<40000xf32, #tpu.memory_space<hbm>>
      %dma_start3A_139 = tpu.memref_slice %arg5[%mul3A_137] : memref<1280000xf32, #tpu.memory_space<hbm>> -> memref<40000xf32, #tpu.memory_space<hbm>>
      tpu.enqueue_dma source(%arg9 : memref<40000xf32, #tpu.memory_space<vmem>>) target(%dma_start3A_139 : memref<40000xf32, #tpu.memory_space<hbm>>) target_semaphore(%run_scoped3A : memref<!tpu.dma_semaphore, #tpu.memory_space<semaphore_mem>>)
      %dma_wait3A = tpu.memref_slice %arg5[%mul3A_137] : memref<1280000xf32, #tpu.memory_space<hbm>> -> memref<40000xf32, #tpu.memory_space<hbm>>
      %dma_wait3A_140 = tpu.memref_slice %arg5[%mul3A_137] : memref<1280000xf32, #tpu.memory_space<hbm>> -> memref<40000xf32, #tpu.memory_space<hbm>>
      tpu.wait_dma2 semaphore(%run_scoped3A : memref<!tpu.dma_semaphore, #tpu.memory_space<semaphore_mem>>) src(%arg9 : memref<40000xf32, #tpu.memory_space<vmem>>) dst(%dma_wait3A_140 : memref<40000xf32, #tpu.memory_space<hbm>>)
      tpu.yield
    }) : () -> ()
    return
  }
}

</mosaic_0001>

<sc_bundles>
// kernel: kernel.3.cloned.1.call-start
scs
__scs_entry_jumppad:
0x0: {  	(pc) =	sbr.rel $0x88, $3  }
0x1: {  	(tag) =	ssettag $0x0;
	lr =	simm.s32 $0x1  }
0x2: {  	[smem:$0x3F9E] =	sst lr;
	_ =	strace $0xD0000000  }
0x3: {  	_ = 	snop  }
0x4: {  	_ = 	snop  }
0x5: {  	_ = 	snop  }
0x6: {  	_ = 	snop  }
0x7: {  	_ = 	snop  }
__scs_overlays_trampoline_lowered:
0x8: {  	[smem:$0x3FAD] =	sst s0  }
0x9: {  	[smem:$0x3FAE] =	sst s1  }
0xa: {  	[smem:$0x3FAF] =	sst s2  }
0xb: {  	[smem:$0x3FB0] =	sst s3  }
0xc: {  	[smem:$0x3FB1] =	sst s4  }
0xd: {  	[smem:$0x3FB2] =	sst s5  }
0xe: {  	[smem:$0x3FB3] =	sst s6  }
0xf: {  	[smem:$0x3FB4] =	sst s7  }
0x10: {  	[smem:$0x3FB5] =	sst s8  }
0x11: {  	[smem:$0x3FB6] =	sst s9;
	s0 =	simm.s32 @!p0 $0x0  }
0x12: {  	s1 =	sld [smem:$0x3F9C];
	s0 =	simm.s32 @p0 $0x1  }
0x13: {  	[smem:$0x3FB7] =	sst s0;
	s0 =	simm.s32 @!p1 $0x0  }
0x14: {  	s2 =	sld [smem:$0x3F9B];
	s0 =	simm.s32 @p1 $0x1  }
0x15: {  	[smem:$0x3FB8] =	sst s0;
	s0 =	simm.s32 @!p2 $0x0  }
0x16: {  	s3 =	sld [smem:$0x3FDB];
	s0 =	simm.s32 @p2 $0x1  }
0x17: {  	s4 =	simm.s32 $0x1BF5;
	[smem:$0x3FBA] =	sst s0  }
0x18: {  	s0 =	sld [smem:$0x3F9D];
	_ =	swait.ge [sflag:s4], $0x0  }
0x19: {  	s7 =	sld [smem:$0x3F9E]  }
0x1a: {  	s8 =	sadd.s32 $0xFFFFE003, lr  }
0x1b: {  	s9 =	sadd.s32 $0xFFFFFEF7, lr;
	s5 =	simm.s32 $0xFFFFFFFF;
	p2 =	slt.u32 s8, $0xFFFFF086  }
0x1c: {  	p1 =	slt.u32 s9, $0xF7A;
	s5 =	simm.s32 @!p2 $0x0  }
0x1d: {  	s5 =	simm.s32 @p1 $0x1;
	p0 =	seq.s32 s7, s2  }
0x1e: {  	s7 =	smul.u32 @!p0 $0xF7A, s2;
	p2 =	seq.s32 @!p0 s5, $0x0  }
0x1f: {  	s9 =	smul.u32 $0xF7A, s1;
	s8 =	simm.s32 @!p0 $0x1BF5;
	p2 =	por !p2, p0  }
0x20: {  	[sflag:s8] =	ssyncset.s32 @!p0 $0xFFFFF086;
	s6 =	sadd.s32 @!p0 s3, s7;
	s7 =	simm.s32 @!p0 $0x108  }
0x21: {  	s3 =	sadd.s32 s3, s9;
	s6 =	sadd.s32 @!p0 $0x88, s6;
	s7 =	simm.s32 @p2 $0x1082  }
0x22: {  	[simem:s7], [sflag:s8] =	dma.local @!p0 [hbm:s6], $0xF7A  }
0x23: {  	s9 =	sor.u32 $0xD0000000, s2;
	s6 =	simm.s32 $0x108;
	_ =	swait.ge @!p0 [sflag:s8], $0x0  }
0x24: {  	s3 =	sadd.s32 $0x88, s3;
	s6 =	simm.s32 @!p1 $0x1082;
	[sflag:s4] =	ssyncset.s32 $0xFFFFF086  }
0x25: {  	[simem:s6], [sflag:s4] =	dma.local [hbm:s3], $0xF7A  }
0x26: {  	[smem:$0x3F9E] =	sst s1;
	(tag) =	ssettag s2;
	_ =	strace s9  }
0x27: {  	s1 =	sld [smem:$0x3FAE]  }
0x28: {  	s2 =	sld [smem:$0x3FAF]  }
0x29: {  	s4 =	sld [smem:$0x3FB1]  }
0x2a: {  	p0 =	seq.s32 s5, $0x0;
	s5 =	sld [smem:$0x3FB2]  }
0x2b: {  	s6 =	sld [smem:$0x3FB3]  }
0x2c: {  	s7 =	sld [smem:$0x3FB4]  }
0x2d: {  	s3 =	simm.s32 $0x108;
	s8 =	sld [smem:$0x3FB5]  }
0x2e: {  	s3 =	simm.s32 @!p0 $0x1082;
	s9 =	sld [smem:$0x3FB6]  }
0x2f: {  	lr =	sadd.s32 s0, s3;
	s0 =	sld [smem:$0x3FAD]  }
0x30: {  	s3 =	sld [smem:$0x3FB0]  }
0x31: {  	[smem:$0x3FB9] =	sst s10  }
0x32: {  	s10 =	sld [smem:$0x3FB7];
	_ =	sdelay $0x3  }
0x33: {  	p0 =	seq.s32 s10, $0x1;
	s10 =	sld [smem:$0x3FB9];
	_ =	sdelay $0x3  }
0x34: {  	[smem:$0x3FB9] =	sst s10  }
0x35: {  	s10 =	sld [smem:$0x3FB8];
	_ =	sdelay $0x3  }
0x36: {  	p1 =	seq.s32 s10, $0x1;
	s10 =	sld [smem:$0x3FB9];
	_ =	sdelay $0x3  }
0x37: {  	[smem:$0x3FB9] =	sst s10  }
0x38: {  	s10 =	sld [smem:$0x3FBA]  }
0x39: {  	_ = 	snop;
	(pc) =	sbr.ind lr, $3  }
0x3a: {  	_ = 	snop  }
0x3b: {  	_ = 	snop  }
0x3c: {  	p2 =	seq.s32 s10, $0x1;
	s10 =	sld [smem:$0x3FB9]  }
0x3d: {  	_ =	shalt  }
0x3e: {  	_ =	shalt  }
0x3f: {  	_ =	shalt  }
0x40: {  	_ =	shalt  }
0x41: {  	_ =	shalt  }
0x42: {  	_ =	shalt  }
0x43: {  	_ =	shalt  }
0x44: {  	_ =	shalt  }
0x45: {  	_ =	shalt  }
0x46: {  	_ =	shalt  }
0x47: {  	_ =	shalt  }
0x48: {  	_ =	shalt  }
0x49: {  	_ =	shalt  }
0x4a: {  	_ =	shalt  }
0x4b: {  	_ =	shalt  }
0x4c: {  	_ =	shalt  }
0x4d: {  	_ =	shalt  }
0x4e: {  	_ =	shalt  }
0x4f: {  	_ =	shalt  }
0x50: {  	_ =	shalt  }
0x51: {  	_ =	shalt  }
0x52: {  	_ =	shalt  }
0x53: {  	_ =	shalt  }
0x54: {  	_ =	shalt  }
0x55: {  	_ =	shalt  }
0x56: {  	_ =	shalt  }
0x57: {  	_ =	shalt  }
0x58: {  	_ =	shalt  }
0x59: {  	_ =	shalt  }
0x5a: {  	_ =	shalt  }
0x5b: {  	_ =	shalt  }
0x5c: {  	_ =	shalt  }
0x5d: {  	_ =	shalt  }
0x5e: {  	_ =	shalt  }
0x5f: {  	_ =	shalt  }
0x60: {  	_ =	shalt  }
0x61: {  	_ =	shalt  }
0x62: {  	_ =	shalt  }
0x63: {  	_ =	shalt  }
0x64: {  	_ =	shalt  }
0x65: {  	_ =	shalt  }
0x66: {  	_ =	shalt  }
0x67: {  	_ =	shalt  }
0x68: {  	_ =	shalt  }
0x69: {  	_ =	shalt  }
0x6a: {  	_ =	shalt  }
0x6b: {  	_ =	shalt  }
0x6c: {  	_ =	shalt  }
0x6d: {  	_ =	shalt  }
0x6e: {  	_ =	shalt  }
0x6f: {  	_ =	shalt  }
0x70: {  	_ =	shalt  }
0x71: {  	_ =	shalt  }
0x72: {  	_ =	shalt  }
0x73: {  	_ =	shalt  }
0x74: {  	_ =	shalt  }
0x75: {  	_ =	shalt  }
0x76: {  	_ =	shalt  }
0x77: {  	_ =	shalt  }
0x78: {  	_ =	shalt  }
0x79: {  	_ =	shalt  }
0x7a: {  	_ =	shalt  }
0x7b: {  	_ =	shalt  }
0x7c: {  	_ =	shalt  }
0x7d: {  	_ =	shalt  }
0x7e: {  	_ =	shalt  }
0x7f: {  	_ =	shalt  }
0x80: {  	_ =	shalt  }
0x81: {  	_ =	shalt  }
0x82: {  	_ =	shalt  }
0x83: {  	_ =	shalt  }
0x84: {  	_ =	shalt  }
0x85: {  	_ =	shalt  }
0x86: {  	_ =	shalt  }
0x87: {  	_ =	shalt  }
.Lfunc_end0:
.L_simem_size_0:
called_computation_lowered:
.L_overlay_start_0:
0x88: {  	s2 =	sld [smem:$0x3FD9]  }
0x89: {  	s3 =	sld [smem:$0x3FFE];
	_ =	sdelay $0x1  }
0x8a: {  	s1 =	srdreg.scid  }
0x8b: {  	s0 =	sand.u32 $0x1, s1  }
0x8c: {  	s17 =	sshll.u32 s0, $0xA;
	s2 =	sadd.s32 s3, s2  }
0x8d: {  	s2 =	sadd.s32 s2, s17  }
0x8e: {  	[smem:$0x3FC5] =	sst s2  }
0x8f: {  	_ = 	snop  }
0x90: {  	s2 =	sld [smem:$0x3FC8]  }
0x91: {  	s18 =	sld [smem:$0x3FC7]  }
0x92: {  	s4 =	sld [smem:$0x3FD0];
	(tm) =	ssettm $0x1  }
0x93: {  	s5 =	sld [smem:$0x3FFB];
	_ =	sdelay $0x3  }
0x94: {  	_ =	strace s5  }
0x95: {  	s5 =	sld [smem:$0x3FFC];
	_ =	sdelay $0x3  }
0x96: {  	_ =	strace s5  }
0x97: {  	s5 =	sld [smem:$0x3FFD];
	_ =	sdelay $0x3  }
0x98: {  	_ =	strace s5  }
0x99: {  	_ =	strace $0x8FFFFFFF  }
0x9a: {  	s19 =	sld [smem:$0x3FDB];
	_ =	sdelay $0x1  }
0x9b: {  	s6 =	simm.s32 $_scs_section_size  }
0x9c: {  	s7 =	simm.s32 $_size__tile_overlayer_lowered;
	s8 =	simm.s32 $_tile_overlayer_lowered  }
0x9d: {  	s22 =	simm.s32 $0x1BFF;
	s21 =	sshll.u32 s8, $0x1;
	s5 =	sadd.s32 s6, s19  }
0x9e: {  	s9 =	simm.s32 $0x0;
	s20 =	sshll.u32 s7, $0x1;
	s7 =	sadd.s32 s21, s5  }
0x9f: {  	[timem:s9], [sflag:s22] =	dma.local [hbm:s7], s20  }
0xa0: {  	_ =	swait.ge [sflag:s22], s20  }
0xa1: {  	s6 =	ssub.s32 $0x0, s20;
	[sflag:s22] =	ssyncset.done $0x0  }
0xa2: {  	[sflag:s22] =	ssyncadd.s32 s6;
	_ =	sdelay $0x1  }
0xa3: {  	s23 =	simm.s32 $0x1B8B  }
0xa4: {  	_ =	swait.ge [sflag:s23], $0x1  }
0xa5: {  	[sflag:s23] =	ssyncset.done $0x0  }
0xa6: {  	s25 =	simm.s32 $0x1B8E;
	s24 =	sld [smem:$0x3FFE];
	[sflag:s23] =	ssyncadd.s32 $0xFFFFFFFF  }
0xa7: {  	s26 =	simm.s32 $execute0_lowered;
	[smem:$0x3FD2] =	sst s25  }
0xa8: {  	s7 =	sshll.u32 s26, $0x1;
	_ =	strace $0x80000046;
	[dreg:$0x1] =	wrdreg $0xFFFFFFFF  }
0xa9: {  	s28 =	simm.s32 $_size_execute0_lowered;
	s5 =	sadd.s32 s5, s7;
	[dreg:$0x0] =	wrdreg $0x0  }
0xaa: {  	s7 =	sshll.u32 s28, $0x1;
	[dreg:$0x2] =	wrdreg s5  }
0xab: {  	[dreg:$0x3] =	wrdreg s7  }
0xac: {  	[dreg:$0x4] =	wrdreg $0xC0  }
0xad: {  	_ =	task [dreg:s9], $0x5FFFF  }
0xae: {  	[dreg:$0x1] =	wrdreg $0xFFFFFFFF  }
0xaf: {  	[dreg:$0x0] =	wrdreg $0x60  }
0xb0: {  	[dreg:$0x2] =	wrdreg s24  }
0xb1: {  	[dreg:$0x3] =	wrdreg s2  }
0xb2: {  	[dreg:$0x4] =	wrdreg s18  }
0xb3: {  	[dreg:$0x5] =	wrdreg s4  }
0xb4: {  	[dreg:$0x6] =	wrdreg $0x9  }
0xb5: {  	_ =	task.clear_ibuf [dreg:s9], $0x7FFFF;
	_ =	strace $0x90000046  }
0xb6: {  	s29 =	simm.s32 $0x9;
	_ =	strace $0x80000048  }
0xb7: {  	_ =	swait.ge [sflag:s29], $0x1  }
0xb8: {  	[sflag:s29] =	ssyncadd.s32 $0xFFFFFFFF  }
0xb9: {  	_ =	strace $0x90000048  }
0xba: {  	_ =	sfence  }
0xbb: {  	s30 =	sld [smem:$0x0];
	_ =	sdelay $0x2  }
0xbc: {  	s31 =	sshll.u32 s1, $0xD;
	s1 =	sshrl.u32 s1, $0x2  }
0xbd: {  	s3 =	sand.u32 $0x4000, s31;
	s1 =	sadd.s32 s1, s30  }
0xbe: {  	s0 =	sor.u32 s3, s0;
	s1 =	sshll.u32 s1, $0x11  }
0xbf: {  	s0 =	sor.u32 s1, s0  }
0xc0: {  	s0 =	sadd.s32 $0x8F2B, s0  }
0xc1: {  	[sflag:s0] =	ssyncadd.remote.s32 $0x1  }
0xc2: {  	_ =	sfence.sel $0xFFFF  }
0xc3: {  	[dreg:$0x0] =	wrdreg $0xFFFFFFFF;
	(pc) =	sbr.abs _section_cstart, $3  }
0xc4: {  	[dreg:$0x1] =	wrdreg $0xFFFFFFFF  }
0xc5: {  	_ =	task.clear_ibuf [dreg:s9], $0x2FFFF;
	_ =	strace $0x9FFFFFFF  }
0xc6: {  	(tm) =	ssettm $0x7FFFFFFF  }
0xc7: {  	_ =	shalt  }
tec
execute0_lowered:
.L_overlay_start_1:
0x0: {  	(tag) =	ssettag $0x1  }
0x1: {  	s0 =	rddreg [dreg:$0x0]  }
0x2: {  	s1 =	rddreg [dreg:$0x1]  }
0x3: {  	s3 =	rddreg [dreg:$0x2];
	s2 =	srdreg.scid  }
0x4: {  	s4 =	stileid.u32;
	s8 =	rddreg [dreg:$0x3]  }
0x5: {  	s28 =	simm.s32 $0x9C40;
	s2 =	sand.u32 $0x1, s2;
	s5 =	sshll.u32 s4, $0x1  }
0x6: {  	v0 =	vimm.s32 $0x3A98;
	vm0 =	vcmask $0x300;
	s29 =	simm.s32 $0x2;
	s30 =	simm.s32 $0x0;
	s19 =	sor.u32 s2, s5  }
0x7: {  	vm14 =	vcmask $0x704;
	s4 =	simm.s32 $0x0;
	v0 =	vsel vm0, $0x0, v0;
	s2 =	ssub.s32 $0x2, s2;
	s5 =	smul.u32 $0xC3500, s19  }
0x8: {  	vm15 =	vcmask $0xB08;
	s6 =	sadd.s32 $0x30E400, s0;
	[smem:$0x7FF] =	sst s4;
	v0 =	vsel vm14, $0x7D0, v0;
	s20 =	sshrl.u32 s2, $0x1  }
0x9: {  	vm4 =	vcmask $0xF0C;
	_ =	strace $0x80000047;
	v0 =	vsel vm15, $0xFA0, v0;
	s0 =	ssub.s32 s2, s20;
	s7 =	sadd.s32 $0x186A0, s5  }
0xa: {  	vm5 =	vcmask $0x1310;
	v0 =	vsel vm4, $0x1770, v0;
	s21 =	sshrl.u32 s5, $0x3;
	s10 =	sadd.s32 $0x30D40, s5;
	s11 =	sadd.s32 $0x493E0, s5  }
0xb: {  	vm6 =	vcmask $0x1714;
	v0 =	vsel vm5, $0x1F40, v0;
	s12 =	sadd.s32 $0x61A80, s5;
	s16 =	sadd.s32 $0x7A120, s5;
	s17 =	sadd.s32 $0x927C0, s5  }
0xc: {  	vm7 =	vcmask $0x1B18;
	s18 =	sadd.s32 $0xAAE60, s5;
	s9 =	sshrl.u32 s7, $0x3;
	s2 =	sadd.s32 s6, s21;
	v0 =	vsel vm6, $0x2710, v0  }
0xd: {  	vm8 =	vcmask $0x1F1C;
	s23 =	sshrl.u32 s10, $0x3;
	s24 =	sshrl.u32 s11, $0x3;
	s15 =	sshrl.u32 s12, $0x3;
	v0 =	vsel vm7, $0x2EE0, v0  }
0xe: {  	vm9 =	vcmask $0x2320;
	s26 =	sshrl.u32 s16, $0x3;
	s20 =	sshrl.u32 s17, $0x3;
	s21 =	sshrl.u32 s18, $0x3;
	v0 =	vsel vm8, $0x36B0, v0  }
0xf: {  	vm10 =	vcmask $0x2724;
	[dreg:$0x5] =	wrdreg s2;
	s22 =	sadd.s32 s6, s9;
	s2 =	sadd.s32 s6, s23;
	v0 =	vsel vm9, $0x3E8, v0  }
0x10: {  	vm11 =	vcmask $0x2B28;
	s25 =	sadd.s32 s6, s15;
	s31 =	sadd.s32 s6, s20;
	[dreg:$0x6] =	wrdreg s22;
	v0 =	vsel vm10, $0xBB8, v0  }
.Ltmp0:
0x11: {  	vm12 =	vcmask $0x2F2C;
	v1 =	vlaneseq.u32;
	s21 =	sadd.s32 s6, s21;
	[dreg:$0x7] =	wrdreg s2;
	v0 =	vsel vm11, $0x1388, v0;
	(pc) =	sbr.rel .LBB2_1-.Ltmp0, $4  }
0x12: {  	vm13 =	vcmask $0x3330;
	v2 =	vshrl.u32 v1, $0x3;
	s23 =	smax.u32 s0, $0x1;
	s2 =	sadd.s32 s6, s24;
	[dreg:$0x9] =	wrdreg s25;
	v0 =	vsel vm12, $0x1B58, v0  }
0x13: {  	v3 =	vand.u32 $0x7, v1;
	vm14 =	vcmask $0x3734;
	s22 =	smul.u32 $0x1388, s19;
	[dreg:$0xb] =	wrdreg s31;
	s24 =	simm.s32 $0x7D00;
	v0 =	vsel vm13, $0x2328, v0  }
0x14: {  	v1 =	vimm.f32 $0.0e+00;
	vm15 =	vcmask $0x3B38;
	s25 =	simm.s32 $0x8CA0;
	[dreg:$0x8] =	wrdreg s2;
	s2 =	sadd.s32 s6, s26;
	v0 =	vsel vm14, $0x2AF8, v0  }
0x15: {  	v2 =	vmul.u32 $0x3E8, v2;
	v3 =	vmul.u32 $0x1388, v3;
	s26 =	simm.s32 $0x1;
	[dreg:$0xa] =	wrdreg s2;
	s22 =	sadd.s32 s8, s22;
	v0 =	vsel vm15, $0x32C8, v0  }
.LBB2_14:
0x16: {  	s30 =	sadd.s32 $0x1, s30  }
0x17: {  	p0 =	sne.s32 s30, s23  }
.Ltmp1:
0x18: {  	_ = 	snop;
	(pc) =	sbr.rel @!p0 .LBB2_15-.Ltmp1, $4  }
0x19: {  	[hbm4b:s22+s4] =	stream.linear.scatter [tilespmem:s28], [sflag:$0x2], $0x9C40, $0x38;
	[tilespmem:$0x13880] =	vst v63  }
0x1a: {  	_ =	swait.ge [sflag:s29], $0x9C40  }
0x1b: {  	[sflag:s29] =	ssyncset.done $0x0  }
0x1c: {  	[sflag:s29] =	ssyncadd.s32 $0xFFFF63C0  }
.LBB2_1:
0x1d: {  	s0 =	simm.s32 $0x9C80  }
0x1e: {  	[tilespmem:s0+$0xFFFFFFC0] =	vst v1  }
0x1f: {  	[tilespmem:s0+$0x30] =	vst v1  }
0x20: {  	[tilespmem:s0+$0x20] =	vst v1  }
0x21: {  	[tilespmem:s0+$0x10] =	vst v1  }
0x22: {  	[tilespmem:s0+$0x0] =	vst v1  }
0x23: {  	[tilespmem:s0+$0xFFFFFFF0] =	vst v1  }
0x24: {  	s2 =	simm.s32 $0x0;
	[tilespmem:s0+$0xFFFFFFE0] =	vst v1  }
.LBB2_2:
0x25: {  	s2 =	sadd.s32 $0x8, s2;
	[tilespmem:s0+$0xFFFFFFD0] =	vst v1;
	s0 =	sadd.s32 $0x80, s0  }
0x26: {  	[tilespmem:s0+$0xFFFFFFC0] =	vst v1;
	p0 =	slt.u32 s2, $0x9B8  }
0x27: {  	[tilespmem:s0+$0x30] =	vst v1  }
.Ltmp2:
0x28: {  	[tilespmem:s0+$0x20] =	vst v1;
	(pc) =	sbr.rel @p0 .LBB2_2-.Ltmp2, $4  }
0x29: {  	[tilespmem:s0+$0x10] =	vst v1  }
0x2a: {  	[tilespmem:s0+$0x0] =	vst v1  }
0x2b: {  	[tilespmem:s0+$0xFFFFFFF0] =	vst v1  }
0x2c: {  	[tilespmem:s0+$0xFFFFFFE0] =	vst v1  }
0x2d: {  	[tilespmem:s0+$0xFFFFFFD0] =	vst v1;
	s0 =	simm.s32 $0x0  }
.LBB2_4:
0x2e: {  	p0 =	sne.s32 s0, $0xC0  }
.Ltmp3:
0x2f: {  	_ = 	snop;
	(pc) =	sbr.rel @p0 .LBB2_4-.Ltmp3, $3  }
0x30: {  	_ =	sdelay $0x1  }
0x31: {  	s2 =	sshra.s32 s0, $0x2  }
0x32: {  	s0 =	sadd.s32 $0x40, s0;
	[tilespmem:s2+$0x13840] =	vst v1  }
0x33: {  	s31 =	simm.s32 $0x0  }
0x34: {  	[tilespmem:s24], [sflag:$0x1] =	stream.linear.gather [hbm4b:s1+s31], $0x7D0, $0x38;
	[tilespmem:$0x13880] =	vst v63  }
0x35: {  	_ = 	snop  }
0x36: {  	[tilespmem:s25], [sflag:$0x1] =	stream.linear.gather [hbm4b:s3+s31], $0x7D0, $0x38;
	[tilespmem:$0x13880] =	vst v63  }
0x37: {  	s0 =	rddreg [dreg:$0x5]  }
0x38: {  	[tilespmem:s31], [sflag:$0x1] =	stream.linear.gather [hbm4b:s0+s31], $0x7D0, $0x38;
	[tilespmem:$0x13880] =	vst v63  }
0x39: {  	s13 =	rddreg [dreg:$0x6];
	s2 =	simm.s32 $0x7D0  }
0x3a: {  	[tilespmem:s2], [sflag:$0x1] =	stream.linear.gather [hbm4b:s13+s31], $0x7D0, $0x38;
	[tilespmem:$0x13880] =	vst v63  }
0x3b: {  	s14 =	rddreg [dreg:$0x7];
	s15 =	simm.s32 $0xFA0  }
0x3c: {  	[tilespmem:s15], [sflag:$0x1] =	stream.linear.gather [hbm4b:s14+s31], $0x7D0, $0x38;
	[tilespmem:$0x13880] =	vst v63  }
0x3d: {  	s19 =	rddreg [dreg:$0x8];
	s20 =	simm.s32 $0x1770  }
0x3e: {  	[tilespmem:s20], [sflag:$0x1] =	stream.linear.gather [hbm4b:s19+s31], $0x7D0, $0x38;
	[tilespmem:$0x13880] =	vst v63  }
0x3f: {  	s8 =	rddreg [dreg:$0x9];
	s9 =	simm.s32 $0x1F40  }
0x40: {  	[tilespmem:s9], [sflag:$0x1] =	stream.linear.gather [hbm4b:s8+s31], $0x7D0, $0x38;
	[tilespmem:$0x13880] =	vst v63  }
0x41: {  	s13 =	rddreg [dreg:$0xa];
	s14 =	simm.s32 $0x2710  }
0x42: {  	[tilespmem:s14], [sflag:$0x1] =	stream.linear.gather [hbm4b:s13+s31], $0x7D0, $0x38;
	[tilespmem:$0x13880] =	vst v63  }
.Ltmp4:
0x43: {  	_ = 	snop;
	(pc) =	sbr.rel .LBB2_6-.Ltmp4, $4  }
0x44: {  	s15 =	rddreg [dreg:$0xb];
	s19 =	simm.s32 $0x2EE0  }
0x45: {  	[tilespmem:s19], [sflag:$0x1] =	stream.linear.gather [hbm4b:s15+s31], $0x7D0, $0x38;
	[tilespmem:$0x13880] =	vst v63  }
0x46: {  	p0 =	por $0x0, $0x0;
	s20 =	simm.s32 $0x36B0  }
0x47: {  	[tilespmem:s20], [sflag:$0x1] =	stream.linear.gather [hbm4b:s21+s31], $0x7D0, $0x38;
	[tilespmem:$0x13880] =	vst v63  }
.LBB2_12:
0x48: {  	_ =	sdelay $0x3  }
0x49: {  	[tilespmem:v5+s28+$0x0] =	vst.idx.add.f32.msk $0xffff, v8  }
0x4a: {  	v24 =	vmul.f32 v26, v24;
	[tilespmem:v11+s28+$0x0] =	vst.idx.add.f32.msk $0xffff, v27  }
0x4b: {  	v5 =	vmul.f32 v25, v22;
	[tilespmem:v4+s28+$0x0] =	vst.idx.add.f32.msk $0xffff, v6  }
0x4c: {  	v63 =	vmul.f32 v23, v21;
	[tilespmem:v13+s28+$0x0] =	vst.idx.add.f32.msk $0xffff, v24  }
0x4d: {  	[tilespmem:v9+s28+$0x0] =	vst.idx.add.f32.msk $0xffff, v5;
	v5 =	vmul.f32 v20, v19  }
0x4e: {  	v4 =	vmul.f32 v15, v14;
	[tilespmem:v10+s28+$0x0] =	vst.idx.add.f32.msk $0xffff, v63  }
0x4f: {  	[tilespmem:v7+s28+$0x0] =	vst.idx.add.f32.msk $0xffff, v5;
	v5 =	vmul.f32 v16, v17  }
0x50: {  	[tilespmem:v18+s28+$0x0] =	vst.idx.add.f32.msk $0xffff, v4  }
0x51: {  	[tilespmem:v12+s28+$0x0] =	vst.idx.add.f32.msk $0xffff, v5  }
.LBB2_13:
0x52: {  	p1 =	sne.s32 s31, $0x32  }
.Ltmp5:
0x53: {  	_ = 	snop;
	(pc) =	sbr.rel @!p1 .LBB2_14-.Ltmp5, $2  }
0x54: {  	_ =	sdelay $0x2  }
0x55: {  	p0 =	por !p0, !p0  }
.LBB2_6:
0x56: {  	_ =	swait.ge [sflag:s26], $0x7D0  }
0x57: {  	[sflag:s26] =	ssyncset.done $0x0  }
0x58: {  	[sflag:s26] =	ssyncadd.s32 $0xFFFFF830  }
0x59: {  	_ =	swait.ge [sflag:s26], $0x7D0  }
0x5a: {  	[sflag:s26] =	ssyncset.done $0x0  }
0x5b: {  	[sflag:s26] =	ssyncadd.s32 $0xFFFFF830  }
0x5c: {  	_ =	swait.ge [sflag:s26], $0x7D0  }
0x5d: {  	[sflag:s26] =	ssyncset.done $0x0  }
0x5e: {  	[sflag:s26] =	ssyncadd.s32 $0xFFFFF830  }
0x5f: {  	_ =	swait.ge [sflag:s26], $0x7D0  }
0x60: {  	[sflag:s26] =	ssyncset.done $0x0  }
0x61: {  	[sflag:s26] =	ssyncadd.s32 $0xFFFFF830  }
0x62: {  	_ =	swait.ge [sflag:s26], $0x7D0  }
0x63: {  	[sflag:s26] =	ssyncset.done $0x0  }
0x64: {  	[sflag:s26] =	ssyncadd.s32 $0xFFFFF830  }
0x65: {  	_ =	swait.ge [sflag:s26], $0x7D0  }
0x66: {  	[sflag:s26] =	ssyncset.done $0x0  }
0x67: {  	[sflag:s26] =	ssyncadd.s32 $0xFFFFF830  }
0x68: {  	_ =	swait.ge [sflag:s26], $0x7D0  }
0x69: {  	[sflag:s26] =	ssyncset.done $0x0  }
0x6a: {  	[sflag:s26] =	ssyncadd.s32 $0xFFFFF830  }
0x6b: {  	_ =	swait.ge [sflag:s26], $0x7D0  }
0x6c: {  	[sflag:s26] =	ssyncset.done $0x0  }
0x6d: {  	[sflag:s26] =	ssyncadd.s32 $0xFFFFF830  }
0x6e: {  	s0 =	smov.u32 s31;
	s2 =	sand.u32 $0x1, s31;
	_ =	swait.ge [sflag:s26], $0x7D0  }
0x6f: {  	s31 =	sadd.s32 $0x1, s31;
	p1 =	seq.s32 s0, $0x31;
	[sflag:s26] =	ssyncset.done $0x0  }
0x70: {  	s0 =	sxor.u32 @!p1 $0x1, s2;
	s8 =	smul.u32 @!p1 $0x7D0, s31;
	[sflag:s26] =	ssyncadd.s32 $0xFFFFF830  }
0x71: {  	s9 =	smul.u32 @!p1 $0x7D0, s0;
	_ =	swait.ge [sflag:s26], $0x7D0  }
0x72: {  	s19 =	simm.s32 @!p1 $0x0;
	s13 =	sshrl.u32 @!p1 s8, $0x3;
	[sflag:s26] =	ssyncset.done $0x0  }
0x73: {  	s14 =	sadd.s32 @!p1 $0x7D00, s9;
	s15 =	sadd.s32 @!p1 s1, s13;
	[sflag:s26] =	ssyncadd.s32 $0xFFFFF830  }
0x74: {  	[tilespmem:s14], [sflag:$0x1] =	stream.linear.gather @!p1 [hbm4b:s15+s19], $0x7D0, $0x38;
	[tilespmem:$0x13880] =	vst v63  }
0x75: {  	s9 =	sadd.s32 @!p1 $0x8CA0, s9;
	s13 =	sadd.s32 @!p1 s3, s13  }
0x76: {  	[tilespmem:s9], [sflag:$0x1] =	stream.linear.gather @!p1 [hbm4b:s13+s19], $0x7D0, $0x38;
	[tilespmem:$0x13880] =	vst v63  }
0x77: {  	s0 =	smul.u32 @!p1 $0xFA00, s0;
	s9 =	sadd.s32 @!p1 s5, s8  }
0x78: {  	s9 =	sshrl.u32 @!p1 s9, $0x3  }
0x79: {  	s0 =	sshrl.u32 @!p1 s0, $0x2;
	s9 =	sadd.s32 @!p1 s6, s9  }
0x7a: {  	[tilespmem:s0], [sflag:$0x1] =	stream.linear.gather @!p1 [hbm4b:s9+s19], $0x7D0, $0x38;
	[tilespmem:$0x13880] =	vst v63  }
0x7b: {  	s9 =	sadd.s32 @!p1 s7, s8  }
0x7c: {  	s9 =	sshrl.u32 @!p1 s9, $0x3  }
0x7d: {  	s13 =	sadd.s32 @!p1 $0x7D0, s0;
	s9 =	sadd.s32 @!p1 s6, s9  }
0x7e: {  	[tilespmem:s13], [sflag:$0x1] =	stream.linear.gather @!p1 [hbm4b:s9+s19], $0x7D0, $0x38;
	[tilespmem:$0x13880] =	vst v63  }
0x7f: {  	s9 =	sadd.s32 @!p1 s10, s8  }
0x80: {  	s9 =	sshrl.u32 @!p1 s9, $0x3  }
0x81: {  	s13 =	sadd.s32 @!p1 $0xFA0, s0;
	s9 =	sadd.s32 @!p1 s6, s9  }
0x82: {  	[tilespmem:s13], [sflag:$0x1] =	stream.linear.gather @!p1 [hbm4b:s9+s19], $0x7D0, $0x38;
	[tilespmem:$0x13880] =	vst v63  }
0x83: {  	s9 =	sadd.s32 @!p1 s11, s8  }
0x84: {  	s9 =	sshrl.u32 @!p1 s9, $0x3  }
0x85: {  	s13 =	sadd.s32 @!p1 $0x1770, s0;
	s9 =	sadd.s32 @!p1 s6, s9  }
0x86: {  	[tilespmem:s13], [sflag:$0x1] =	stream.linear.gather @!p1 [hbm4b:s9+s19], $0x7D0, $0x38;
	[tilespmem:$0x13880] =	vst v63  }
0x87: {  	s9 =	sadd.s32 @!p1 s12, s8  }
0x88: {  	s9 =	sshrl.u32 @!p1 s9, $0x3  }
0x89: {  	s13 =	sadd.s32 @!p1 $0x1F40, s0;
	s9 =	sadd.s32 @!p1 s6, s9  }
0x8a: {  	[tilespmem:s13], [sflag:$0x1] =	stream.linear.gather @!p1 [hbm4b:s9+s19], $0x7D0, $0x38;
	[tilespmem:$0x13880] =	vst v63  }
0x8b: {  	s9 =	sadd.s32 @!p1 s16, s8  }
0x8c: {  	s9 =	sshrl.u32 @!p1 s9, $0x3  }
0x8d: {  	s13 =	sadd.s32 @!p1 $0x2710, s0;
	s9 =	sadd.s32 @!p1 s6, s9  }
0x8e: {  	[tilespmem:s13], [sflag:$0x1] =	stream.linear.gather @!p1 [hbm4b:s9+s19], $0x7D0, $0x38;
	[tilespmem:$0x13880] =	vst v63  }
0x8f: {  	s9 =	sadd.s32 @!p1 s17, s8  }
0x90: {  	s8 =	sadd.s32 @!p1 s18, s8;
	s9 =	sshrl.u32 @!p1 s9, $0x3  }
0x91: {  	s13 =	sadd.s32 @!p1 $0x2EE0, s0;
	s8 =	sshrl.u32 @!p1 s8, $0x3;
	s9 =	sadd.s32 @!p1 s6, s9  }
0x92: {  	[tilespmem:s13], [sflag:$0x1] =	stream.linear.gather @!p1 [hbm4b:s9+s19], $0x7D0, $0x38;
	[tilespmem:$0x13880] =	vst v63  }
0x93: {  	s2 =	smul.u32 $0x7D0, s2;
	s0 =	sadd.s32 @!p1 $0x36B0, s0;
	s8 =	sadd.s32 @!p1 s6, s8  }
0x94: {  	[tilespmem:s0], [sflag:$0x1] =	stream.linear.gather @!p1 [hbm4b:s8+s19], $0x7D0, $0x38;
	[tilespmem:$0x13880] =	vst v63  }
0x95: {  	v4 =	vld [tilespmem:s2+$0x84C0];
	_ =	sdelay $0x4  }
0x96: {  	(v2sf) =	vpush v4, $0xF;
	_ =	sdelay $0xc  }
0x97: {  	s0 =	simm.s32 $0x1  }
0x98: {  	s0 =	simm.s32 @!p0 $0x0  }
0x99: {  	s2 =	smul.u32 $0x3E80, s0;
	s15 =	spop (v2sf)  }
0x9a: {  	s0 =	smul.u32 $0x7D0, s0;
	p1 =	sgt.s32 s15, $0x9C3  }
.Ltmp6:
0x9b: {  	_ = 	snop;
	(pc) =	sbr.rel @p1 .LBB2_10-.Ltmp6, $4  }
0x9c: {  	_ = 	snop  }
0x9d: {  	s8 =	sadd.s32 $0xFFFFFFF8, s0  }
0x9e: {  	s19 =	sadd.s32 $0xF, s8;
	s20 =	sadd.s32 $0x8, s8  }
0x9f: {  	v4 =	vadd.s32 s19, v2;
	v5 =	vadd.s32 s20, v2  }
0xa0: {  	s9 =	sadd.s32 $0x9, s8  }
0xa1: {  	s13 =	sadd.s32 $0xA, s8;
	v6 =	vadd.s32 s9, v2  }
0xa2: {  	s15 =	sadd.s32 $0xB, s8;
	v7 =	vadd.s32 s13, v2  }
0xa3: {  	s14 =	sadd.s32 $0xC, s8;
	v8 =	vadd.s32 s15, v2  }
0xa4: {  	v4 =	vld.idx.msk [tilespmem:v4+s24+$0x0], $0xffff;
	s20 =	sadd.s32 $0xD, s8;
	s13 =	sadd.s32 $0xFFFFFFF8, s2;
	v10 =	vadd.s32 s14, v2  }
0xa5: {  	v5 =	vld.idx.msk [tilespmem:v5+s24+$0x0], $0xffff;
	v11 =	vadd.s32 s20, v2;
	s19 =	sadd.s32 $0xF, s13  }
0xa6: {  	s20 =	sadd.s32 $0x9, s13;
	v9 =	vadd.s32 s19, v0;
	v12 =	vld.idx.msk [tilespmem:v6+s24+$0x0], $0xffff  }
0xa7: {  	s15 =	sadd.s32 $0xE, s8;
	v13 =	vadd.s32 s20, v0;
	v18 =	vld.idx.msk [tilespmem:v7+s24+$0x0], $0xffff  }
0xa8: {  	s19 =	sadd.s32 $0x8, s13;
	v6 =	vadd.s32 s15, v2;
	v8 =	vld.idx.msk [tilespmem:v8+s24+$0x0], $0xffff  }
0xa9: {  	s9 =	sadd.s32 $0xA, s13;
	v7 =	vadd.s32 s19, v0;
	v19 =	vld.idx.msk [tilespmem:v10+s24+$0x0], $0xffff  }
0xaa: {  	s14 =	sadd.s32 $0xB, s13;
	v10 =	vadd.s32 s9, v0;
	v20 =	vld.idx.msk [tilespmem:v11+s24+$0x0], $0xffff  }
0xab: {  	s20 =	sadd.s32 $0xE, s13;
	v11 =	vadd.s32 s14, v0;
	v9 =	vld.idx.msk [tilespmem:v9+s4+$0x0], $0xffff  }
0xac: {  	v23 =	vadd.s32 s20, v0;
	s19 =	sadd.s32 $0xD, s13;
	v13 =	vld.idx.msk [tilespmem:v13+s4+$0x0], $0xffff  }
0xad: {  	v22 =	vadd.s32 s19, v0;
	v21 =	vld.idx.msk [tilespmem:v6+s24+$0x0], $0xffff  }
0xae: {  	v4 =	vadd.s32 v3, v4;
	s15 =	sadd.s32 $0xC, s13;
	v16 =	vld.idx.msk [tilespmem:v7+s4+$0x0], $0xffff  }
0xaf: {  	v6 =	vadd.s32 s15, v0;
	v14 =	vld.idx.msk [tilespmem:v10+s4+$0x0], $0xffff  }
0xb0: {  	v17 =	vadd.s32 v3, v5;
	v7 =	vld.idx.msk [tilespmem:v11+s4+$0x0], $0xffff  }
0xb1: {  	v15 =	vadd.s32 v3, v12;
	v12 =	vld.idx.msk [tilespmem:v23+s4+$0x0], $0xffff  }
0xb2: {  	v11 =	vadd.s32 v3, v18;
	v10 =	vld.idx.msk [tilespmem:v22+s4+$0x0], $0xffff  }
0xb3: {  	[tilespmem:v4+s28+$0x0] =	vst.idx.add.f32.msk $0xffff, v9;
	v4 =	vadd.s32 v3, v8  }
0xb4: {  	s8 =	simm.s32 $0x0;
	v8 =	vadd.s32 v3, v19;
	v9 =	vadd.s32 v3, v20;
	v6 =	vld.idx.msk [tilespmem:v6+s4+$0x0], $0xffff;
	v5 =	vadd.s32 v3, v21  }
.LBB2_8:
0xb5: {  	s9 =	sadd.s32 s8, s0;
	[tilespmem:v17+s28+$0x0] =	vst.idx.add.f32.msk $0xffff, v16;
	s13 =	smov.u32 s8;
	s8 =	sadd.s32 $0x8, s8  }
0xb6: {  	s14 =	sadd.s32 $0x8, s9;
	s15 =	sadd.s32 $0xF, s9;
	p1 =	slt.u32 s8, $0x3E0;
	[tilespmem:v15+s28+$0x0] =	vst.idx.add.f32.msk $0xffff, v13  }
0xb7: {  	s19 =	sadd.s32 $0xA, s9;
	s20 =	sadd.s32 $0xB, s9;
	v13 =	vadd.s32 s14, v2;
	s14 =	sadd.s32 $0x9, s9;
	v15 =	vadd.s32 s15, v2;
	[tilespmem:v11+s28+$0x0] =	vst.idx.add.f32.msk $0xffff, v14  }
0xb8: {  	v14 =	vadd.s32 s19, v2;
	v16 =	vadd.s32 s20, v2;
	s15 =	sadd.s32 $0xD, s9;
	v11 =	vadd.s32 s14, v2;
	s14 =	sadd.s32 $0xC, s9;
	s9 =	sadd.s32 $0xE, s9;
	[tilespmem:v4+s28+$0x0] =	vst.idx.add.f32.msk $0xffff, v7  }
0xb9: {  	v7 =	vadd.s32 s15, v2;
	v4 =	vadd.s32 s14, v2;
	v18 =	vadd.s32 s9, v2;
	[tilespmem:v8+s28+$0x0] =	vst.idx.add.f32.msk $0xffff, v6  }
0xba: {  	s9 =	sadd.s32 s13, s2;
	[tilespmem:v9+s28+$0x0] =	vst.idx.add.f32.msk $0xffff, v10  }
0xbb: {  	s13 =	sadd.s32 $0x8, s9;
	s14 =	sadd.s32 $0x9, s9;
	s15 =	sadd.s32 $0xF, s9;
	[tilespmem:v5+s28+$0x0] =	vst.idx.add.f32.msk $0xffff, v12  }
0xbc: {  	s19 =	sadd.s32 $0xC, s9;
	v5 =	vadd.s32 s13, v0;
	v6 =	vadd.s32 s14, v0;
	s13 =	sadd.s32 $0xA, s9;
	s14 =	sadd.s32 $0xB, s9;
	v8 =	vadd.s32 s15, v0;
	v9 =	vld.idx.msk [tilespmem:v15+s24+$0x0], $0xffff  }
0xbd: {  	v20 =	vadd.s32 s19, v0;
	v12 =	vadd.s32 s13, v0;
	v19 =	vadd.s32 s14, v0;
	s13 =	sadd.s32 $0xD, s9;
	s9 =	sadd.s32 $0xE, s9;
	v10 =	vld.idx.msk [tilespmem:v13+s24+$0x0], $0xffff  }
0xbe: {  	v21 =	vadd.s32 s13, v0;
	v22 =	vadd.s32 s9, v0;
	v11 =	vld.idx.msk [tilespmem:v11+s24+$0x0], $0xffff  }
0xbf: {  	v13 =	vld.idx.msk [tilespmem:v14+s24+$0x0], $0xffff  }
0xc0: {  	v14 =	vld.idx.msk [tilespmem:v16+s24+$0x0], $0xffff  }
0xc1: {  	v8 =	vld.idx.msk [tilespmem:v8+s4+$0x0], $0xffff  }
0xc2: {  	v9 =	vadd.s32 v3, v9;
	v23 =	vld.idx.msk [tilespmem:v4+s24+$0x0], $0xffff  }
0xc3: {  	v17 =	vadd.s32 v3, v10;
	v10 =	vld.idx.msk [tilespmem:v7+s24+$0x0], $0xffff  }
0xc4: {  	v15 =	vadd.s32 v3, v11;
	v18 =	vld.idx.msk [tilespmem:v18+s24+$0x0], $0xffff  }
0xc5: {  	v11 =	vadd.s32 v3, v13;
	v16 =	vld.idx.msk [tilespmem:v5+s4+$0x0], $0xffff  }
0xc6: {  	v4 =	vadd.s32 v3, v14;
	v13 =	vld.idx.msk [tilespmem:v6+s4+$0x0], $0xffff  }
0xc7: {  	[tilespmem:v9+s28+$0x0] =	vst.idx.add.f32.msk $0xffff, v8  }
.Ltmp7:
0xc8: {  	v8 =	vadd.s32 v3, v23;
	v14 =	vld.idx.msk [tilespmem:v12+s4+$0x0], $0xffff;
	(pc) =	sbr.rel @p1 .LBB2_8-.Ltmp7, $4  }
0xc9: {  	v9 =	vadd.s32 v3, v10;
	v7 =	vld.idx.msk [tilespmem:v19+s4+$0x0], $0xffff  }
0xca: {  	v5 =	vadd.s32 v3, v18;
	v6 =	vld.idx.msk [tilespmem:v20+s4+$0x0], $0xffff  }
0xcb: {  	v10 =	vld.idx.msk [tilespmem:v21+s4+$0x0], $0xffff  }
0xcc: {  	v12 =	vld.idx.msk [tilespmem:v22+s4+$0x0], $0xffff  }
0xcd: {  	_ =	sdelay $0x3  }
0xce: {  	[tilespmem:v17+s28+$0x0] =	vst.idx.add.f32.msk $0xffff, v16  }
0xcf: {  	[tilespmem:v15+s28+$0x0] =	vst.idx.add.f32.msk $0xffff, v13  }
.Ltmp8:
0xd0: {  	[tilespmem:v11+s28+$0x0] =	vst.idx.add.f32.msk $0xffff, v14;
	(pc) =	sbr.rel .LBB2_13-.Ltmp8, $4  }
0xd1: {  	[tilespmem:v4+s28+$0x0] =	vst.idx.add.f32.msk $0xffff, v7  }
0xd2: {  	[tilespmem:v8+s28+$0x0] =	vst.idx.add.f32.msk $0xffff, v6  }
0xd3: {  	[tilespmem:v9+s28+$0x0] =	vst.idx.add.f32.msk $0xffff, v10  }
0xd4: {  	[tilespmem:v5+s28+$0x0] =	vst.idx.add.f32.msk $0xffff, v12  }
.LBB2_10:
0xd5: {  	_ =	sdelay $0x1  }
0xd6: {  	s9 =	sadd.s32 $0xFFFFFFF8, s2;
	s14 =	sadd.s32 $0x9, s8  }
0xd7: {  	s13 =	sadd.s32 $0xF, s9;
	v7 =	vadd.s32 s14, v2  }
0xd8: {  	s20 =	sadd.s32 $0xA, s8;
	v9 =	vld.idx.msk [tilespmem:v4+s24+$0x0], $0xffff;
	v6 =	vadd.s32 s13, v0  }
0xd9: {  	s15 =	sadd.s32 $0xB, s8;
	v11 =	vld.idx.msk [tilespmem:v5+s24+$0x0], $0xffff;
	v8 =	vadd.s32 s20, v2  }
0xda: {  	s19 =	sadd.s32 $0xC, s8;
	v4 =	vld.idx.msk [tilespmem:v4+s25+$0x0], $0xffff;
	v10 =	vadd.s32 s15, v2  }
0xdb: {  	v5 =	vld.idx.msk [tilespmem:v5+s25+$0x0], $0xffff;
	v12 =	vadd.s32 s19, v2  }
0xdc: {  	v15 =	vld.idx.msk [tilespmem:v7+s24+$0x0], $0xffff  }
0xdd: {  	s20 =	sadd.s32 $0xD, s8;
	v6 =	vld.idx.msk [tilespmem:v6+s4+$0x0], $0xffff  }
0xde: {  	v13 =	vadd.s32 s20, v2;
	v16 =	vld.idx.msk [tilespmem:v8+s24+$0x0], $0xffff  }
0xdf: {  	v18 =	vadd.s32 v3, v9;
	v17 =	vld.idx.msk [tilespmem:v10+s24+$0x0], $0xffff  }
0xe0: {  	vm0 =	vgt.s32 v9, $0x9C3;
	v19 =	vld.idx.msk [tilespmem:v12+s24+$0x0], $0xffff  }
0xe1: {  	v4 =	vnsel vm0, $0x3F800000, v4;
	v10 =	vld.idx.msk [tilespmem:v10+s25+$0x0], $0xffff  }
0xe2: {  	s13 =	sadd.s32 $0xE, s8;
	v12 =	vld.idx.msk [tilespmem:v12+s25+$0x0], $0xffff;
	v4 =	vmul.f32 v4, v6  }
0xe3: {  	v14 =	vadd.s32 s13, v2;
	v9 =	vld.idx.msk [tilespmem:v13+s24+$0x0], $0xffff  }
0xe4: {  	s14 =	sadd.s32 $0x8, s9;
	[tilespmem:v18+s28+$0x0] =	vst.idx.add.f32.msk $0xffff, v4  }
0xe5: {  	s15 =	sadd.s32 $0x9, s9;
	v6 =	vadd.s32 s14, v0;
	v4 =	vld.idx.msk [tilespmem:v7+s25+$0x0], $0xffff  }
0xe6: {  	s19 =	sadd.s32 $0xA, s9;
	v7 =	vld.idx.msk [tilespmem:v8+s25+$0x0], $0xffff;
	v8 =	vadd.s32 s15, v0  }
0xe7: {  	s20 =	sadd.s32 $0xB, s9;
	v13 =	vld.idx.msk [tilespmem:v13+s25+$0x0], $0xffff;
	v18 =	vadd.s32 s19, v0  }
0xe8: {  	v21 =	vadd.s32 s20, v0;
	s13 =	sadd.s32 $0xC, s9;
	v20 =	vld.idx.msk [tilespmem:v14+s24+$0x0], $0xffff  }
0xe9: {  	v22 =	vadd.s32 s13, v0;
	v14 =	vld.idx.msk [tilespmem:v14+s25+$0x0], $0xffff;
	s14 =	sadd.s32 $0xD, s9  }
0xea: {  	v23 =	vadd.s32 s14, v0;
	s15 =	sadd.s32 $0xE, s9;
	v6 =	vld.idx.msk [tilespmem:v6+s4+$0x0], $0xffff  }
0xeb: {  	vm7 =	vgt.s32 v11, $0x9C3;
	v24 =	vadd.s32 s15, v0;
	v8 =	vld.idx.msk [tilespmem:v8+s4+$0x0], $0xffff  }
0xec: {  	v11 =	vadd.s32 v3, v11;
	v5 =	vnsel vm7, $0x3F800000, v5;
	v18 =	vld.idx.msk [tilespmem:v18+s4+$0x0], $0xffff  }
0xed: {  	v21 =	vld.idx.msk [tilespmem:v21+s4+$0x0], $0xffff;
	vm1 =	vgt.s32 v15, $0x9C3;
	v15 =	vadd.s32 v3, v15;
	vm2 =	vgt.s32 v16, $0x9C3  }
0xee: {  	v22 =	vld.idx.msk [tilespmem:v22+s4+$0x0], $0xffff;
	v16 =	vadd.s32 v3, v16;
	vm3 =	vgt.s32 v17, $0x9C3;
	v17 =	vadd.s32 v3, v17  }
0xef: {  	s8 =	sadd.s32 $0x0, s0;
	vm8 =	vgt.s32 v19, $0x9C3;
	v23 =	vld.idx.msk [tilespmem:v23+s4+$0x0], $0xffff;
	v4 =	vnsel vm1, $0x3F800000, v4;
	v5 =	vmul.f32 v5, v6  }
0xf0: {  	s19 =	sadd.s32 $0xF, s8;
	v7 =	vnsel vm2, $0x3F800000, v7;
	v6 =	vadd.s32 v3, v19;
	v19 =	vld.idx.msk [tilespmem:v24+s4+$0x0], $0xffff;
	v4 =	vmul.f32 v4, v8  }
0xf1: {  	s20 =	sadd.s32 $0x8, s8;
	v8 =	vnsel vm3, $0x3F800000, v10;
	[tilespmem:v11+s28+$0x0] =	vst.idx.add.f32.msk $0xffff, v5;
	v5 =	vmul.f32 v7, v18;
	v7 =	vadd.s32 s19, v2  }
0xf2: {  	v10 =	vnsel vm8, $0x3F800000, v12;
	v11 =	vadd.s32 s20, v2;
	[tilespmem:v15+s28+$0x0] =	vst.idx.add.f32.msk $0xffff, v4;
	v4 =	vmul.f32 v8, v21  }
0xf3: {  	[tilespmem:v16+s28+$0x0] =	vst.idx.add.f32.msk $0xffff, v5;
	v5 =	vmul.f32 v10, v22  }
0xf4: {  	s15 =	sadd.s32 $0x9, s8;
	[tilespmem:v17+s28+$0x0] =	vst.idx.add.f32.msk $0xffff, v4  }
0xf5: {  	s20 =	sadd.s32 $0xB, s8;
	v8 =	vadd.s32 s15, v2;
	[tilespmem:v6+s28+$0x0] =	vst.idx.add.f32.msk $0xffff, v5  }
0xf6: {  	v10 =	vadd.s32 s20, v2;
	v5 =	vld.idx.msk [tilespmem:v7+s24+$0x0], $0xffff  }
0xf7: {  	s9 =	sadd.s32 $0x0, s2;
	v12 =	vld.idx.msk [tilespmem:v11+s24+$0x0], $0xffff  }
0xf8: {  	s14 =	sadd.s32 $0xF, s9;
	v7 =	vld.idx.msk [tilespmem:v7+s25+$0x0], $0xffff  }
0xf9: {  	s15 =	sadd.s32 $0xC, s8;
	v4 =	vadd.s32 s14, v0;
	v28 =	vld.idx.msk [tilespmem:v11+s25+$0x0], $0xffff  }
0xfa: {  	v15 =	vadd.s32 s15, v2;
	v18 =	vld.idx.msk [tilespmem:v8+s24+$0x0], $0xffff  }
0xfb: {  	s19 =	sadd.s32 $0xA, s8;
	v22 =	vld.idx.msk [tilespmem:v10+s24+$0x0], $0xffff  }
0xfc: {  	v6 =	vadd.s32 s19, v2;
	v29 =	vld.idx.msk [tilespmem:v8+s25+$0x0], $0xffff  }
0xfd: {  	s19 =	sadd.s32 $0xD, s8;
	v31 =	vld.idx.msk [tilespmem:v10+s25+$0x0], $0xffff  }
0xfe: {  	s8 =	sadd.s32 $0xE, s8;
	v16 =	vadd.s32 s19, v2;
	v4 =	vld.idx.msk [tilespmem:v4+s4+$0x0], $0xffff  }
0xff: {  	v17 =	vadd.s32 s8, v2;
	v25 =	vld.idx.msk [tilespmem:v15+s24+$0x0], $0xffff  }
0x100: {  	v15 =	vld.idx.msk [tilespmem:v15+s25+$0x0], $0xffff;
	v24 =	vadd.s32 v3, v5  }
0x101: {  	v21 =	vld.idx.msk [tilespmem:v6+s24+$0x0], $0xffff;
	vm9 =	vgt.s32 v5, $0x9C3  }
0x102: {  	vm10 =	vgt.s32 v9, $0x9C3;
	vm11 =	vgt.s32 v20, $0x9C3;
	s15 =	sadd.s32 $0xB, s9;
	v30 =	vld.idx.msk [tilespmem:v6+s25+$0x0], $0xffff;
	v5 =	vnsel vm9, $0x3F800000, v7  }
0x103: {  	s20 =	sadd.s32 $0x8, s9;
	v32 =	vadd.s32 s15, v0;
	s19 =	sadd.s32 $0xC, s9;
	v6 =	vnsel vm10, $0x3F800000, v13;
	v26 =	vld.idx.msk [tilespmem:v16+s24+$0x0], $0xffff;
	v4 =	vmul.f32 v5, v4  }
0x104: {  	s13 =	sadd.s32 $0x9, s9;
	v33 =	vadd.s32 s19, v0;
	v27 =	vld.idx.msk [tilespmem:v17+s24+$0x0], $0xffff;
	v8 =	vmul.f32 v6, v23;
	v7 =	vadd.s32 s20, v0  }
0x105: {  	s14 =	sadd.s32 $0xA, s9;
	vm12 =	vgt.s32 v12, $0x9C3;
	[tilespmem:v24+s28+$0x0] =	vst.idx.add.f32.msk $0xffff, v4;
	v4 =	vadd.s32 v3, v20;
	v20 =	vadd.s32 s13, v0  }
0x106: {  	v16 =	vld.idx.msk [tilespmem:v16+s25+$0x0], $0xffff;
	s20 =	sadd.s32 $0xD, s9;
	s9 =	sadd.s32 $0xE, s9;
	v5 =	vadd.s32 v3, v9;
	v9 =	vnsel vm11, $0x3F800000, v14;
	v14 =	vadd.s32 s14, v0  }
0x107: {  	v17 =	vld.idx.msk [tilespmem:v17+s25+$0x0], $0xffff;
	v11 =	vadd.s32 v3, v12;
	v34 =	vadd.s32 s20, v0;
	v35 =	vadd.s32 s9, v0  }
0x108: {  	vm14 =	vgt.s32 v21, $0x9C3;
	v6 =	vmul.f32 v9, v19;
	v9 =	vadd.s32 v3, v21;
	v21 =	vld.idx.msk [tilespmem:v32+s4+$0x0], $0xffff  }
0x109: {  	vm13 =	vgt.s32 v18, $0x9C3;
	v13 =	vadd.s32 v3, v18;
	vm15 =	vgt.s32 v22, $0x9C3;
	v36 =	vld.idx.msk [tilespmem:v7+s4+$0x0], $0xffff  }
0x10a: {  	v10 =	vadd.s32 v3, v22;
	vm4 =	vgt.s32 v25, $0x9C3;
	v23 =	vnsel vm15, $0x3F800000, v31;
	v24 =	vld.idx.msk [tilespmem:v20+s4+$0x0], $0xffff  }
0x10b: {  	vm5 =	vgt.s32 v26, $0x9C3;
	v18 =	vadd.s32 v3, v26;
	vm6 =	vgt.s32 v27, $0x9C3;
	v22 =	vld.idx.msk [tilespmem:v14+s4+$0x0], $0xffff  }
0x10c: {  	v12 =	vadd.s32 v3, v27;
	v27 =	vnsel vm12, $0x3F800000, v28;
	v26 =	vnsel vm13, $0x3F800000, v29;
	v19 =	vld.idx.msk [tilespmem:v33+s4+$0x0], $0xffff  }
0x10d: {  	v7 =	vadd.s32 v3, v25;
	v25 =	vnsel vm14, $0x3F800000, v30;
	v14 =	vld.idx.msk [tilespmem:v34+s4+$0x0], $0xffff;
	v20 =	vnsel vm4, $0x3F800000, v15  }
0x10e: {  	s8 =	simm.s32 $0x8;
	v15 =	vnsel vm5, $0x3F800000, v16;
	v16 =	vnsel vm6, $0x3F800000, v17;
	v27 =	vmul.f32 v27, v36;
	v17 =	vld.idx.msk [tilespmem:v35+s4+$0x0], $0xffff  }
.LBB2_11:
0x10f: {  	s9 =	sadd.s32 s8, s0;
	v24 =	vmul.f32 v26, v24;
	[tilespmem:v5+s28+$0x0] =	vst.idx.add.f32.msk $0xffff, v8;
	v5 =	vmov v18;
	s13 =	smov.u32 s8;
	s8 =	sadd.s32 $0x8, s8  }
0x110: {  	v8 =	vmul.f32 v25, v22;
	s14 =	sadd.s32 $0x8, s9;
	s15 =	sadd.s32 $0xF, s9;
	p1 =	slt.u32 s8, $0x3E0;
	[tilespmem:v11+s28+$0x0] =	vst.idx.add.f32.msk $0xffff, v27  }
0x111: {  	s19 =	sadd.s32 $0xA, s9;
	s20 =	sadd.s32 $0xB, s9;
	v18 =	vadd.s32 s14, v2;
	s14 =	sadd.s32 $0x9, s9;
	v11 =	vadd.s32 s15, v2;
	[tilespmem:v13+s28+$0x0] =	vst.idx.add.f32.msk $0xffff, v24;
	v13 =	vmul.f32 v23, v21  }
0x112: {  	s13 =	sadd.s32 s13, s2;
	v22 =	vadd.s32 s19, v2;
	v23 =	vadd.s32 s20, v2;
	s15 =	sadd.s32 $0xD, s9;
	v21 =	vadd.s32 s14, v2;
	s14 =	sadd.s32 $0xC, s9;
	[tilespmem:v9+s28+$0x0] =	vst.idx.add.f32.msk $0xffff, v8  }
0x113: {  	s19 =	sadd.s32 $0x8, s13;
	v25 =	vadd.s32 s15, v2;
	s9 =	sadd.s32 $0xE, s9;
	v8 =	vmul.f32 v20, v19;
	v24 =	vadd.s32 s14, v2;
	s14 =	sadd.s32 $0xF, s13;
	[tilespmem:v10+s28+$0x0] =	vst.idx.add.f32.msk $0xffff, v13  }
0x114: {  	s20 =	sadd.s32 $0xB, s13;
	v19 =	vadd.s32 s19, v0;
	s15 =	sadd.s32 $0x9, s13;
	s19 =	sadd.s32 $0xA, s13;
	v20 =	vadd.s32 s9, v2;
	v9 =	vadd.s32 s14, v0;
	[tilespmem:v4+s28+$0x0] =	vst.idx.add.f32.msk $0xffff, v6;
	v4 =	vmovc v12  }
0x115: {  	v29 =	vadd.s32 s20, v0;
	v27 =	vadd.s32 s15, v0;
	v28 =	vadd.s32 s19, v0;
	s9 =	sadd.s32 $0xC, s13;
	s14 =	sadd.s32 $0xD, s13;
	s13 =	sadd.s32 $0xE, s13;
	[tilespmem:v7+s28+$0x0] =	vst.idx.add.f32.msk $0xffff, v8  }
0x116: {  	v30 =	vadd.s32 s9, v0;
	v31 =	vadd.s32 s14, v0;
	v32 =	vadd.s32 s13, v0;
	v7 =	vld.idx.msk [tilespmem:v11+s24+$0x0], $0xffff  }
0x117: {  	v6 =	vmul.f32 v16, v17;
	v8 =	vmul.f32 v15, v14;
	v10 =	vld.idx.msk [tilespmem:v18+s24+$0x0], $0xffff  }
0x118: {  	v12 =	vld.idx.msk [tilespmem:v11+s25+$0x0], $0xffff  }
0x119: {  	v9 =	vld.idx.msk [tilespmem:v9+s4+$0x0], $0xffff  }
0x11a: {  	v13 =	vld.idx.msk [tilespmem:v21+s24+$0x0], $0xffff  }
0x11b: {  	v14 =	vld.idx.msk [tilespmem:v22+s24+$0x0], $0xffff  }
0x11c: {  	v16 =	vadd.s32 v3, v7;
	v15 =	vld.idx.msk [tilespmem:v23+s24+$0x0], $0xffff  }
0x11d: {  	vm1 =	vgt.s32 v7, $0x9C3;
	vm0 =	vgt.s32 v10, $0x9C3;
	v11 =	vadd.s32 v3, v10;
	v17 =	vld.idx.msk [tilespmem:v24+s24+$0x0], $0xffff  }
0x11e: {  	v7 =	vnsel vm1, $0x3F800000, v12;
	v26 =	vld.idx.msk [tilespmem:v25+s24+$0x0], $0xffff  }
0x11f: {  	v7 =	vmul.f32 v7, v9;
	v12 =	vld.idx.msk [tilespmem:v20+s24+$0x0], $0xffff  }
0x120: {  	vm1 =	vgt.s32 v13, $0x9C3;
	v13 =	vadd.s32 v3, v13;
	v33 =	vld.idx.msk [tilespmem:v18+s25+$0x0], $0xffff  }
0x121: {  	vm2 =	vgt.s32 v14, $0x9C3;
	v9 =	vadd.s32 v3, v14;
	[tilespmem:v16+s28+$0x0] =	vst.idx.add.f32.msk $0xffff, v7  }
0x122: {  	vm3 =	vgt.s32 v15, $0x9C3;
	v10 =	vadd.s32 v3, v15;
	v14 =	vld.idx.msk [tilespmem:v21+s25+$0x0], $0xffff  }
0x123: {  	vm4 =	vgt.s32 v17, $0x9C3;
	v7 =	vadd.s32 v3, v17;
	v15 =	vld.idx.msk [tilespmem:v22+s25+$0x0], $0xffff  }
0x124: {  	vm5 =	vgt.s32 v26, $0x9C3;
	v18 =	vadd.s32 v3, v26;
	v16 =	vld.idx.msk [tilespmem:v23+s25+$0x0], $0xffff  }
0x125: {  	vm6 =	vgt.s32 v12, $0x9C3;
	v12 =	vadd.s32 v3, v12;
	v17 =	vld.idx.msk [tilespmem:v24+s25+$0x0], $0xffff  }
0x126: {  	v33 =	vnsel vm0, $0x3F800000, v33;
	v34 =	vld.idx.msk [tilespmem:v25+s25+$0x0], $0xffff  }
0x127: {  	v35 =	vld.idx.msk [tilespmem:v20+s25+$0x0], $0xffff  }
0x128: {  	v26 =	vnsel vm1, $0x3F800000, v14;
	v36 =	vld.idx.msk [tilespmem:v19+s4+$0x0], $0xffff  }
0x129: {  	v25 =	vnsel vm2, $0x3F800000, v15;
	v24 =	vld.idx.msk [tilespmem:v27+s4+$0x0], $0xffff  }
.Ltmp9:
0x12a: {  	v23 =	vnsel vm3, $0x3F800000, v16;
	v22 =	vld.idx.msk [tilespmem:v28+s4+$0x0], $0xffff;
	(pc) =	sbr.rel @p1 .LBB2_11-.Ltmp9, $4  }
0x12b: {  	v20 =	vnsel vm4, $0x3F800000, v17;
	v21 =	vld.idx.msk [tilespmem:v29+s4+$0x0], $0xffff  }
0x12c: {  	v15 =	vnsel vm5, $0x3F800000, v34;
	v19 =	vld.idx.msk [tilespmem:v30+s4+$0x0], $0xffff  }
0x12d: {  	v16 =	vnsel vm6, $0x3F800000, v35;
	v14 =	vld.idx.msk [tilespmem:v31+s4+$0x0], $0xffff  }
0x12e: {  	v27 =	vmul.f32 v33, v36;
	v17 =	vld.idx.msk [tilespmem:v32+s4+$0x0], $0xffff  }
.Ltmp10:
0x12f: {  	_ = 	snop;
	(pc) =	sbr.rel .LBB2_12-.Ltmp10, $1  }
0x130: {  	_ =	sdelay $0x3  }
.LBB2_15:
0x131: {  	_ =	sfence.sel $0x180000  }
0x132: {  	[bflag:$0x0] =	sbarrier.arrive $0xFFFF  }
0x133: {  	_ =	strace $0x90000047  }
0x134: {  	s0 =	stileid.u32;
	[bflag:$0x2] =	sbarrier.arrive $0xFFFF  }
0x135: {  	p0 =	sne.s32 s0, $0x0;
	s0 =	rddreg [dreg:$0x4]  }
0x136: {  	s0 =	sadd.s32 @!p0 $0x100000, s0  }
0x137: {  	[sflag:s0] =	ssyncadd.tile.s32 @!p0 $0x1;
	_ =	shalt  }
.Lfunc_end2:
_tile_overlayer_lowered:
.L_overlay_start_2:
0x138: {  	(tag) =	ssettag $0x2  }
0x139: {  	s0 =	rddreg [dreg:$0x0];
	s2 =	stileid.u32  }
0x13a: {  	s1 =	rddreg [dreg:$0x1];
	p0 =	sne.s32 s2, $0x0  }
0x13b: {  	s3 =	rddreg [dreg:$0x2];
	[bflag:$0x3] =	sbarrier.arrive $0xFFFF;
	s2 =	simm.s32 @!p0 $0x1C02  }
0x13c: {  	[timem:s3], [sflag:s2] =	dma.local @!p0 [hbm:s0], s1  }
0x13d: {  	s0 =	simm.s32 @!p0 $0x2  }
0x13e: {  	_ =	swait.ge @!p0 [sflag:s0], s1  }
0x13f: {  	s1 =	ssub.s32 @!p0 $0x0, s1;
	[sflag:s0] =	ssyncset.done @!p0 $0x0  }
0x140: {  	[sflag:s0] =	ssyncadd.s32 @!p0 s1  }
0x141: {  	[bflag:$0x3] =	sbarrier.arrive $0xFFFF  }
0x142: {  	_ =	shalt  }

</sc_bundles>
